<compile_context>
chip_gen: v7x
topology: tpu7x:2x2x1
jax: 0.10.2.dev20260603
libtpu: 0.0.44.dev20260713+nightly
codegen_flags: <defaults>
</compile_context>

<pallas_src>
import functools

import jax
import jax.numpy as jnp
from jax import lax
from jax.experimental import pallas as pl
from jax.experimental.pallas import tpu as pltpu
from jax.experimental.pallas import tpu_sc as plsc

N_NODES = 10000
N_EDGES = 320000
D_IN = 128
D_HID = 128
D_OUT = 128
MLP_HID = 256
MLP_OUT = 64

NC = 2
NS = 16
NW = NC * NS
CHUNK = 80
NCHUNK = 125
NPAD = 10240
HI = NPAD // 128
ROWS_PS = NPAD // NS

_MESH = plsc.VectorSubcoreMesh(core_axis_name="c", subcore_axis_name="s")



@functools.partial(
    pl.kernel,
    out_type=jax.ShapeDtypeStruct((NC, NPAD, D_HID), jnp.float32),
    mesh=_MESH,
    scratch_types=[
        pltpu.VMEM((NCHUNK, CHUNK), jnp.int32),
        pltpu.VMEM((NCHUNK, CHUNK), jnp.int32),
        pltpu.VMEM((CHUNK, D_HID), jnp.float32),
        pltpu.VMEM_SHARED((NPAD, D_HID), jnp.float32),
        pltpu.SemaphoreType.DMA,
    ],
)
def _edge_kernel(h_hbm, src_hbm, dst_hbm, zeros_hbm, out_hbm,
                 src_v, dst_v, rows0_v, agg_sh, sem0):
    c = lax.axis_index("c")
    s = lax.axis_index("s")
    wid = s * NC + c
    sl = pl.ds(s * ROWS_PS, ROWS_PS)
    pltpu.sync_copy(zeros_hbm.at[sl], agg_sh.at[sl])
    pltpu.sync_copy(src_hbm.at[wid], src_v)
    pltpu.sync_copy(dst_hbm.at[wid], dst_v)
    plsc.subcore_barrier()

    def step(i, carry):
        pltpu.async_copy(h_hbm.at[src_v.at[i]], rows0_v, sem0).wait()
        pltpu.sync_copy(rows0_v, agg_sh.at[dst_v.at[i]], add=True)
        return carry

    lax.fori_loop(0, NCHUNK, step, 0)
    plsc.subcore_barrier()
    pltpu.sync_copy(agg_sh.at[sl], out_hbm.at[c, sl])



BR = 1024
_GRID = NPAD // BR

BE = 3200
NBE = N_EDGES // BE


def _onehot_hist(e, out_plane):
    hi = lax.shift_right_logical(e, 7)[:, None]
    lo = lax.bitwise_and(e, 127)[:, None]
    oh_hi = (hi == lax.broadcasted_iota(jnp.int32, (BE, HI), 1)
             ).astype(jnp.bfloat16)
    oh_lo = (lo == lax.broadcasted_iota(jnp.int32, (BE, 128), 1)
             ).astype(jnp.bfloat16)
    out_plane[...] += lax.dot_general(
        oh_hi, oh_lo, (((0,), (0,)), ((), ())),
        preferred_element_type=jnp.float32)


def _deg_body(src_ref, dst_ref, out_ref):
    @pl.when(pl.program_id(0) == 0)
    def _():
        out_ref[...] = jnp.zeros_like(out_ref)

    _onehot_hist(src_ref[0, 0, :], out_ref.at[0])
    _onehot_hist(dst_ref[0, 0, :], out_ref.at[1])


_tc_deg = pl.pallas_call(
    _deg_body,
    grid=(NBE,),
    in_specs=[
        pl.BlockSpec((1, 1, BE), lambda i: (i, 0, 0)),
        pl.BlockSpec((1, 1, BE), lambda i: (i, 0, 0)),
    ],
    out_specs=pl.BlockSpec((2, HI, 128), lambda i: (0, 0, 0)),
    out_shape=jax.ShapeDtypeStruct((2, HI, 128), jnp.float32),
)


def _deg_column(plane):
    rowsel = (lax.broadcasted_iota(jnp.int32, (BR, BR // 128), 0) // 128
              == lax.broadcasted_iota(jnp.int32, (BR, BR // 128), 1)
              ).astype(jnp.float32)
    m = jnp.dot(rowsel, plane, preferred_element_type=jnp.float32)
    lanesel = (lax.broadcasted_iota(jnp.int32, (BR, 128), 0) % 128
               == lax.broadcasted_iota(jnp.int32, (BR, 128), 1)
               ).astype(jnp.float32)
    return jnp.sum(m * lanesel, axis=1, keepdims=True)


def _norm_col(deg):
    return jnp.where(deg > 0, lax.rsqrt(jnp.maximum(deg, 1.0)), 0.0)


def _d1_body(deg_ref, x_ref, w_ref, h_ref, ns_ref, nd_ref):
    ns = _norm_col(_deg_column(deg_ref[0]))
    nd = _norm_col(_deg_column(deg_ref[1]))
    ns_ref[...] = ns
    nd_ref[...] = nd
    h_ref[...] = jnp.dot(x_ref[...] * ns, w_ref[...],
                         preferred_element_type=jnp.float32)


def _d2_body(agg_ref, nd_ref, ns_ref, w_ref, b_ref, h_ref):
    a = agg_ref[0] + agg_ref[1]
    o = jnp.maximum(a * nd_ref[...] + b_ref[...], 0.0)
    h_ref[...] = jnp.dot(o * ns_ref[...], w_ref[...],
                         preferred_element_type=jnp.float32)


def _d3_body(agg_ref, nd_ref, b2_ref, wm1_ref, bm1_ref, wm2_ref, bm2_ref,
             out_ref):
    a = agg_ref[0] + agg_ref[1]
    o = jnp.maximum(a * nd_ref[...] + b2_ref[...], 0.0)
    t = jnp.maximum(jnp.dot(o, wm1_ref[...],
                            preferred_element_type=jnp.float32) + bm1_ref[...],
                    0.0)
    out_ref[...] = jnp.dot(t, wm2_ref[...],
                           preferred_element_type=jnp.float32) + bm2_ref[...]


def _full(shape):
    return pl.BlockSpec(shape, lambda i: tuple(0 for _ in shape))


_tc_dense1 = pl.pallas_call(
    _d1_body,
    grid=(_GRID,),
    in_specs=[
        pl.BlockSpec((2, BR // 128, 128), lambda i: (0, i, 0)),
        pl.BlockSpec((BR, D_IN), lambda i: (i, 0)),
        _full((D_IN, D_HID)),
    ],
    out_specs=[
        pl.BlockSpec((BR, D_HID), lambda i: (i, 0)),
        pl.BlockSpec((BR, 1), lambda i: (i, 0)),
        pl.BlockSpec((BR, 1), lambda i: (i, 0)),
    ],
    out_shape=[
        jax.ShapeDtypeStruct((NPAD, D_HID), jnp.float32),
        jax.ShapeDtypeStruct((NPAD, 1), jnp.float32),
        jax.ShapeDtypeStruct((NPAD, 1), jnp.float32),
    ],
)

_tc_dense2 = pl.pallas_call(
    _d2_body,
    grid=(_GRID,),
    in_specs=[
        pl.BlockSpec((NC, BR, D_HID), lambda i: (0, i, 0)),
        pl.BlockSpec((BR, 1), lambda i: (i, 0)),
        pl.BlockSpec((BR, 1), lambda i: (i, 0)),
        _full((D_HID, D_OUT)),
        _full((1, D_HID)),
    ],
    out_specs=pl.BlockSpec((BR, D_OUT), lambda i: (i, 0)),
    out_shape=jax.ShapeDtypeStruct((NPAD, D_OUT), jnp.float32),
)

_tc_dense3 = pl.pallas_call(
    _d3_body,
    grid=(_GRID,),
    in_specs=[
        pl.BlockSpec((NC, BR, D_OUT), lambda i: (0, i, 0)),
        pl.BlockSpec((BR, 1), lambda i: (i, 0)),
        _full((1, D_OUT)),
        _full((D_OUT, MLP_HID)),
        _full((1, MLP_HID)),
        _full((MLP_HID, MLP_OUT)),
        _full((1, MLP_OUT)),
    ],
    out_specs=pl.BlockSpec((BR, MLP_OUT), lambda i: (i, 0)),
    out_shape=jax.ShapeDtypeStruct((NPAD, MLP_OUT), jnp.float32),
)



def kernel(inputs, edge_index, W1, b1, W2, b2, Wm1, bm1, Wm2, bm2):
    src = edge_index[0].astype(jnp.int32)
    dst = edge_index[1].astype(jnp.int32)
    src_w = src.reshape(NW, NCHUNK, CHUNK)
    dst_w = dst.reshape(NW, NCHUNK, CHUNK)
    src_b = src.reshape(NBE, 1, BE)
    dst_b = dst.reshape(NBE, 1, BE)
    x_pad = jnp.pad(inputs, ((0, NPAD - N_NODES), (0, 0)))
    zeros_agg = jnp.zeros((NPAD, D_HID), jnp.float32)

    deg2 = _tc_deg(src_b, dst_b)
    h1, nsrc, ndst = _tc_dense1(deg2, x_pad, W1)
    agg1 = _edge_kernel(h1, src_w, dst_w, zeros_agg)
    h2 = _tc_dense2(agg1, ndst, nsrc, W2, b1.reshape(1, D_HID))
    agg2 = _edge_kernel(h2, src_w, dst_w, zeros_agg)
    out = _tc_dense3(agg2, ndst, b2.reshape(1, D_OUT), Wm1,
                     bm1.reshape(1, MLP_HID), Wm2, bm2.reshape(1, MLP_OUT))
    return out[:N_NODES]

# --- scband reference (transcript-rebuilt; emitter-appended) ---
"""Pipeline reference for scband-gcn-82111184765289 (READ-ONLY COPY).

The authoritative reference and input builder live on the scoring server;
editing this copy changes nothing except your own understanding.
"""

import jax, jax.numpy as jnp
import numpy as np

N_NODES = 10000
N_EDGES = 320000
D_IN = 128
D_HID = 128
D_OUT = 128
MLP_HID = 256
MLP_OUT = 64


def setup_inputs(seed: int = 0) -> dict:
    key = jax.random.key(seed)
    ks = jax.random.split(key, 12)
    inputs = jax.random.normal(ks[0], (N_NODES, D_IN), dtype=jnp.float32)
    edge_index = jax.random.randint(ks[1], (2, N_EDGES), 0, N_NODES)
    W1 = jax.random.normal(ks[2], (D_IN, D_HID), dtype=jnp.float32) / np.sqrt(D_IN)
    b1 = jnp.zeros((D_HID,), dtype=jnp.float32)
    W2 = jax.random.normal(ks[3], (D_HID, D_OUT), dtype=jnp.float32) / np.sqrt(D_HID)
    b2 = jnp.zeros((D_OUT,), dtype=jnp.float32)
    Wm1 = jax.random.normal(ks[4], (D_OUT, MLP_HID), dtype=jnp.float32) / np.sqrt(D_OUT)
    bm1 = jnp.zeros((MLP_HID,), dtype=jnp.float32)
    Wm2 = jax.random.normal(ks[5], (MLP_HID, MLP_OUT), dtype=jnp.float32) / np.sqrt(MLP_HID)
    bm2 = jnp.zeros((MLP_OUT,), dtype=jnp.float32)
    return {"inputs": inputs, "edge_index": edge_index, "W1": W1, "b1": b1, "W2": W2, "b2": b2, "Wm1": Wm1, "bm1": bm1, "Wm2": Wm2, "bm2": bm2}


def _graph_conv(x, W, b, src, dst):
    # DGL GraphConv with norm='both': out = D_dst^{-1/2} A D_src^{-1/2} X W + b
    ones = jnp.ones((src.shape[0],), dtype=x.dtype)
    deg_out = jax.ops.segment_sum(ones, src, num_segments=N_NODES)
    deg_in = jax.ops.segment_sum(ones, dst, num_segments=N_NODES)
    norm_src = jnp.where(deg_out > 0, 1.0 / jnp.sqrt(jnp.maximum(deg_out, 1.0)), 0.0)
    norm_dst = jnp.where(deg_in > 0, 1.0 / jnp.sqrt(jnp.maximum(deg_in, 1.0)), 0.0)
    h = x * norm_src[:, None]
    h = h @ W
    agg = jax.ops.segment_sum(h[src], dst, num_segments=N_NODES)
    return agg * norm_dst[:, None] + b


def reference(inputs, edge_index, W1, b1, W2, b2, Wm1, bm1, Wm2, bm2):
    src = edge_index[0]
    dst = edge_index[1]
    # conv1 + relu (dropout is identity in eval mode)
    h = jax.nn.relu(_graph_conv(inputs, W1, b1, src, dst))
    # conv2 + relu
    h = jax.nn.relu(_graph_conv(h, W2, b2, src, dst))
    # 2-layer MLP head
    h = jax.nn.relu(h @ Wm1 + bm1)
    h = h @ Wm2 + bm2
    # mask_c = 0.0 -> do_mask branch skipped
    return h

if __name__ == "__main__":
    import jax
    _d = setup_inputs()
    print(jax.jit(kernel)(*tuple(_d.values())))

</pallas_src>

<mosaic_0001>
#map = affine_map<(d0, d1) -> (0, 0)>
#map1 = affine_map<(d0, d1) -> (0, 0, 0)>
module attributes {stable_mosaic.version = 14 : i64} {
  func.func @_edge_kernel(%arg0: i32, %arg1: i32, %arg2: memref<10240x128xf32, #tpu.memory_space<hbm>>, %arg3: memref<32x125x80xi32, #tpu.memory_space<hbm>>, %arg4: memref<32x125x80xi32, #tpu.memory_space<hbm>>, %arg5: memref<10240x128xf32, #tpu.memory_space<hbm>>, %arg6: memref<2x10240x128xf32, #tpu.memory_space<hbm>>, %arg7: memref<125x80xi32, #tpu.memory_space<vmem>>, %arg8: memref<125x80xi32, #tpu.memory_space<vmem>>, %arg9: memref<80x128xf32, #tpu.memory_space<vmem>>, %arg10: memref<10240x128xf32, #tpu.memory_space<vmem_shared>>, %arg11: memref<!tpu.dma_semaphore, #tpu.memory_space<semaphore_mem>>) attributes {dimension_semantics = [#tpu.dimension_semantics<core_parallel>, #tpu.dimension_semantics<subcore_parallel>], iteration_bounds = array<i64: 2, 16>, scalar_prefetch = 0 : i64, scratch_operands = 5 : i64, tpu.core_type = #tpu.core_type<sc_vector_subcore>, window_params = [{transform_indices = #map}, {transform_indices = #map1}, {transform_indices = #map1}, {transform_indices = #map}, {transform_indices = #map1}]} {
    %mul3A = arith.constant 2 : i32
    %mul3A_0 = arith.muli %arg1, %mul3A : i32
    %add3A = arith.addi %mul3A_0, %arg0 : i32
    %mul3A_1 = arith.constant 640 : i32
    %mul3A_2 = arith.muli %arg1, %mul3A_1 : i32
    "tpu.region"() ({
      %run_scoped3A = tpu.sem_alloc : memref<!tpu.dma_semaphore, #tpu.memory_space<semaphore_mem>>
      %dma_start3A = arith.constant 0 : i32
      %dma_start3A_9 = tpu.memref_slice %arg10[%mul3A_2, %dma_start3A] : memref<10240x128xf32, #tpu.memory_space<vmem_shared>> -> memref<640x128xf32, #tpu.memory_space<vmem_shared>>
      %dma_start3A_10 = arith.constant 0 : i32
      %dma_start3A_11 = tpu.memref_slice %arg5[%mul3A_2, %dma_start3A_10] : memref<10240x128xf32, #tpu.memory_space<hbm>> -> memref<640x128xf32, #tpu.memory_space<hbm>>
      tpu.enqueue_dma source(%dma_start3A_11 : memref<640x128xf32, #tpu.memory_space<hbm>>) target(%dma_start3A_9 : memref<640x128xf32, #tpu.memory_space<vmem_shared>>) target_semaphore(%run_scoped3A : memref<!tpu.dma_semaphore, #tpu.memory_space<semaphore_mem>>)
      %dma_wait3A = arith.constant 0 : i32
      %dma_wait3A_12 = tpu.memref_slice %arg10[%mul3A_2, %dma_wait3A] : memref<10240x128xf32, #tpu.memory_space<vmem_shared>> -> memref<640x128xf32, #tpu.memory_space<vmem_shared>>
      %dma_wait3A_13 = arith.constant 0 : i32
      %dma_wait3A_14 = tpu.memref_slice %arg5[%mul3A_2, %dma_wait3A_13] : memref<10240x128xf32, #tpu.memory_space<hbm>> -> memref<640x128xf32, #tpu.memory_space<hbm>>
      tpu.wait_dma2 semaphore(%run_scoped3A : memref<!tpu.dma_semaphore, #tpu.memory_space<semaphore_mem>>) src(%dma_wait3A_14 : memref<640x128xf32, #tpu.memory_space<hbm>>) dst(%dma_wait3A_12 : memref<640x128xf32, #tpu.memory_space<vmem_shared>>)
      tpu.yield
    }) : () -> ()
    "tpu.region"() ({
      %run_scoped3A = tpu.sem_alloc : memref<!tpu.dma_semaphore, #tpu.memory_space<semaphore_mem>>
      %dma_start3A = arith.constant 0 : i32
      %dma_start3A_9 = arith.constant 0 : i32
      %dma_start3A_10 = tpu.memref_slice %arg3[%add3A, %dma_start3A, %dma_start3A_9] : memref<32x125x80xi32, #tpu.memory_space<hbm>> -> memref<1x125x80xi32, #tpu.memory_space<hbm>>
      %dma_start3A_11 = tpu.memref_squeeze %dma_start3A_10 : memref<1x125x80xi32, #tpu.memory_space<hbm>> -> memref<125x80xi32, #tpu.memory_space<hbm>>
      %dma_start3A_12 = arith.constant 0 : i32
      %dma_start3A_13 = arith.constant 0 : i32
      %dma_start3A_14 = tpu.memref_slice %arg3[%add3A, %dma_start3A_12, %dma_start3A_13] : memref<32x125x80xi32, #tpu.memory_space<hbm>> -> memref<1x125x80xi32, #tpu.memory_space<hbm>>
      %dma_start3A_15 = tpu.memref_squeeze %dma_start3A_14 : memref<1x125x80xi32, #tpu.memory_space<hbm>> -> memref<125x80xi32, #tpu.memory_space<hbm>>
      tpu.enqueue_dma source(%dma_start3A_15 : memref<125x80xi32, #tpu.memory_space<hbm>>) target(%arg7 : memref<125x80xi32, #tpu.memory_space<vmem>>) target_semaphore(%run_scoped3A : memref<!tpu.dma_semaphore, #tpu.memory_space<semaphore_mem>>)
      %dma_wait3A = arith.constant 0 : i32
      %dma_wait3A_16 = arith.constant 0 : i32
      %dma_wait3A_17 = tpu.memref_slice %arg3[%add3A, %dma_wait3A, %dma_wait3A_16] : memref<32x125x80xi32, #tpu.memory_space<hbm>> -> memref<1x125x80xi32, #tpu.memory_space<hbm>>
      %dma_wait3A_18 = tpu.memref_squeeze %dma_wait3A_17 : memref<1x125x80xi32, #tpu.memory_space<hbm>> -> memref<125x80xi32, #tpu.memory_space<hbm>>
      %dma_wait3A_19 = arith.constant 0 : i32
      %dma_wait3A_20 = arith.constant 0 : i32
      %dma_wait3A_21 = tpu.memref_slice %arg3[%add3A, %dma_wait3A_19, %dma_wait3A_20] : memref<32x125x80xi32, #tpu.memory_space<hbm>> -> memref<1x125x80xi32, #tpu.memory_space<hbm>>
      %dma_wait3A_22 = tpu.memref_squeeze %dma_wait3A_21 : memref<1x125x80xi32, #tpu.memory_space<hbm>> -> memref<125x80xi32, #tpu.memory_space<hbm>>
      tpu.wait_dma2 semaphore(%run_scoped3A : memref<!tpu.dma_semaphore, #tpu.memory_space<semaphore_mem>>) src(%dma_wait3A_22 : memref<125x80xi32, #tpu.memory_space<hbm>>) dst(%arg7 : memref<125x80xi32, #tpu.memory_space<vmem>>)
      tpu.yield
    }) : () -> ()
    "tpu.region"() ({
      %run_scoped3A = tpu.sem_alloc : memref<!tpu.dma_semaphore, #tpu.memory_space<semaphore_mem>>
      %dma_start3A = arith.constant 0 : i32
      %dma_start3A_9 = arith.constant 0 : i32
      %dma_start3A_10 = tpu.memref_slice %arg4[%add3A, %dma_start3A, %dma_start3A_9] : memref<32x125x80xi32, #tpu.memory_space<hbm>> -> memref<1x125x80xi32, #tpu.memory_space<hbm>>
      %dma_start3A_11 = tpu.memref_squeeze %dma_start3A_10 : memref<1x125x80xi32, #tpu.memory_space<hbm>> -> memref<125x80xi32, #tpu.memory_space<hbm>>
      %dma_start3A_12 = arith.constant 0 : i32
      %dma_start3A_13 = arith.constant 0 : i32
      %dma_start3A_14 = tpu.memref_slice %arg4[%add3A, %dma_start3A_12, %dma_start3A_13] : memref<32x125x80xi32, #tpu.memory_space<hbm>> -> memref<1x125x80xi32, #tpu.memory_space<hbm>>
      %dma_start3A_15 = tpu.memref_squeeze %dma_start3A_14 : memref<1x125x80xi32, #tpu.memory_space<hbm>> -> memref<125x80xi32, #tpu.memory_space<hbm>>
      tpu.enqueue_dma source(%dma_start3A_15 : memref<125x80xi32, #tpu.memory_space<hbm>>) target(%arg8 : memref<125x80xi32, #tpu.memory_space<vmem>>) target_semaphore(%run_scoped3A : memref<!tpu.dma_semaphore, #tpu.memory_space<semaphore_mem>>)
      %dma_wait3A = arith.constant 0 : i32
      %dma_wait3A_16 = arith.constant 0 : i32
      %dma_wait3A_17 = tpu.memref_slice %arg4[%add3A, %dma_wait3A, %dma_wait3A_16] : memref<32x125x80xi32, #tpu.memory_space<hbm>> -> memref<1x125x80xi32, #tpu.memory_space<hbm>>
      %dma_wait3A_18 = tpu.memref_squeeze %dma_wait3A_17 : memref<1x125x80xi32, #tpu.memory_space<hbm>> -> memref<125x80xi32, #tpu.memory_space<hbm>>
      %dma_wait3A_19 = arith.constant 0 : i32
      %dma_wait3A_20 = arith.constant 0 : i32
      %dma_wait3A_21 = tpu.memref_slice %arg4[%add3A, %dma_wait3A_19, %dma_wait3A_20] : memref<32x125x80xi32, #tpu.memory_space<hbm>> -> memref<1x125x80xi32, #tpu.memory_space<hbm>>
      %dma_wait3A_22 = tpu.memref_squeeze %dma_wait3A_21 : memref<1x125x80xi32, #tpu.memory_space<hbm>> -> memref<125x80xi32, #tpu.memory_space<hbm>>
      tpu.wait_dma2 semaphore(%run_scoped3A : memref<!tpu.dma_semaphore, #tpu.memory_space<semaphore_mem>>) src(%dma_wait3A_22 : memref<125x80xi32, #tpu.memory_space<hbm>>) dst(%arg8 : memref<125x80xi32, #tpu.memory_space<vmem>>)
      tpu.yield
    }) : () -> ()
    %barrier3A = arith.constant 0 : index
    tpu.barrier barrier_id(%barrier3A)
    %scan3A = arith.constant 0 : i32
    %scan3A_3 = arith.constant 0 : i32
    %scan3A_4 = arith.constant 125 : i32
    %scan3A_5 = arith.addi %scan3A_3, %scan3A_4 : i32
    %scan3A_6 = arith.constant 1 : i32
    scf.for %scan3A_9 = %scan3A_3 to %scan3A_5 step %scan3A_6  : i32 {
      %dma_start3A = arith.constant 0 : i32
      %dma_start3A_10 = tpu.memref_slice %arg7[%scan3A_9, %dma_start3A] : memref<125x80xi32, #tpu.memory_space<vmem>> -> memref<1x80xi32, #tpu.memory_space<vmem>>
      %dma_start3A_11 = tpu.memref_squeeze %dma_start3A_10 : memref<1x80xi32, #tpu.memory_space<vmem>> -> memref<80xi32, #tpu.memory_space<vmem>>
      %dma_start3A_12 = arith.constant 0 : i32
      %dma_start3A_13 = arith.constant 0 : i32
      %dma_start3A_14 = tpu.memref_slice %arg2[%dma_start3A_12, %dma_start3A_13] : memref<10240x128xf32, #tpu.memory_space<hbm>> -> memref<10240x128xf32, #tpu.memory_space<hbm>>
      tpu.enqueue_indirect_dma source(%dma_start3A_14 : memref<10240x128xf32, #tpu.memory_space<hbm>>) target(%arg9 : memref<80x128xf32, #tpu.memory_space<vmem>>) offsets(%dma_start3A_11 : memref<80xi32, #tpu.memory_space<vmem>>) semaphore(%arg11 : memref<!tpu.dma_semaphore, #tpu.memory_space<semaphore_mem>>)
      %dma_wait3A = arith.constant 0 : i32
      %dma_wait3A_15 = tpu.memref_slice %arg7[%scan3A_9, %dma_wait3A] : memref<125x80xi32, #tpu.memory_space<vmem>> -> memref<1x80xi32, #tpu.memory_space<vmem>>
      %dma_wait3A_16 = tpu.memref_squeeze %dma_wait3A_15 : memref<1x80xi32, #tpu.memory_space<vmem>> -> memref<80xi32, #tpu.memory_space<vmem>>
      %dma_wait3A_17 = arith.constant 0 : i32
      %dma_wait3A_18 = arith.constant 0 : i32
      %dma_wait3A_19 = tpu.memref_slice %arg2[%dma_wait3A_17, %dma_wait3A_18] : memref<10240x128xf32, #tpu.memory_space<hbm>> -> memref<10240x128xf32, #tpu.memory_space<hbm>>
      tpu.wait_indirect_dma semaphore(%arg11 : memref<!tpu.dma_semaphore, #tpu.memory_space<semaphore_mem>>) src(%dma_wait3A_19 : memref<10240x128xf32, #tpu.memory_space<hbm>>) dst(%arg9 : memref<80x128xf32, #tpu.memory_space<vmem>>)
      "tpu.region"() ({
        %run_scoped3A = tpu.sem_alloc : memref<!tpu.dma_semaphore, #tpu.memory_space<semaphore_mem>>
        %dma_start3A_20 = arith.constant 0 : i32
        %dma_start3A_21 = tpu.memref_slice %arg8[%scan3A_9, %dma_start3A_20] : memref<125x80xi32, #tpu.memory_space<vmem>> -> memref<1x80xi32, #tpu.memory_space<vmem>>
        %dma_start3A_22 = tpu.memref_squeeze %dma_start3A_21 : memref<1x80xi32, #tpu.memory_space<vmem>> -> memref<80xi32, #tpu.memory_space<vmem>>
        %dma_start3A_23 = arith.constant 0 : i32
        %dma_start3A_24 = arith.constant 0 : i32
        %dma_start3A_25 = tpu.memref_slice %arg10[%dma_start3A_23, %dma_start3A_24] : memref<10240x128xf32, #tpu.memory_space<vmem_shared>> -> memref<10240x128xf32, #tpu.memory_space<vmem_shared>>
        tpu.enqueue_indirect_dma source(%arg9 : memref<80x128xf32, #tpu.memory_space<vmem>>) target(%dma_start3A_25 : memref<10240x128xf32, #tpu.memory_space<vmem_shared>>) offsets(%dma_start3A_22 : memref<80xi32, #tpu.memory_space<vmem>>) semaphore(%run_scoped3A : memref<!tpu.dma_semaphore, #tpu.memory_space<semaphore_mem>>) {add = true}
        %dma_wait3A_26 = arith.constant 0 : i32
        %dma_wait3A_27 = tpu.memref_slice %arg8[%scan3A_9, %dma_wait3A_26] : memref<125x80xi32, #tpu.memory_space<vmem>> -> memref<1x80xi32, #tpu.memory_space<vmem>>
        %dma_wait3A_28 = tpu.memref_squeeze %dma_wait3A_27 : memref<1x80xi32, #tpu.memory_space<vmem>> -> memref<80xi32, #tpu.memory_space<vmem>>
        %dma_wait3A_29 = arith.constant 0 : i32
        %dma_wait3A_30 = arith.constant 0 : i32
        %dma_wait3A_31 = tpu.memref_slice %arg10[%dma_wait3A_29, %dma_wait3A_30] : memref<10240x128xf32, #tpu.memory_space<vmem_shared>> -> memref<10240x128xf32, #tpu.memory_space<vmem_shared>>
        tpu.wait_indirect_dma semaphore(%run_scoped3A : memref<!tpu.dma_semaphore, #tpu.memory_space<semaphore_mem>>) src(%arg9 : memref<80x128xf32, #tpu.memory_space<vmem>>) dst(%dma_wait3A_31 : memref<10240x128xf32, #tpu.memory_space<vmem_shared>>)
        tpu.yield
      }) : () -> ()
    }
    %scan3A_7 = arith.constant 125 : i32
    %barrier3A_8 = arith.constant 0 : index
    tpu.barrier barrier_id(%barrier3A_8)
    "tpu.region"() ({
      %run_scoped3A = tpu.sem_alloc : memref<!tpu.dma_semaphore, #tpu.memory_space<semaphore_mem>>
      %dma_start3A = arith.constant 0 : i32
      %dma_start3A_9 = tpu.memref_slice %arg6[%arg0, %mul3A_2, %dma_start3A] : memref<2x10240x128xf32, #tpu.memory_space<hbm>> -> memref<1x640x128xf32, #tpu.memory_space<hbm>>
      %dma_start3A_10 = tpu.memref_squeeze %dma_start3A_9 : memref<1x640x128xf32, #tpu.memory_space<hbm>> -> memref<640x128xf32, #tpu.memory_space<hbm>>
      %dma_start3A_11 = arith.constant 0 : i32
      %dma_start3A_12 = tpu.memref_slice %arg10[%mul3A_2, %dma_start3A_11] : memref<10240x128xf32, #tpu.memory_space<vmem_shared>> -> memref<640x128xf32, #tpu.memory_space<vmem_shared>>
      tpu.enqueue_dma source(%dma_start3A_12 : memref<640x128xf32, #tpu.memory_space<vmem_shared>>) target(%dma_start3A_10 : memref<640x128xf32, #tpu.memory_space<hbm>>) target_semaphore(%run_scoped3A : memref<!tpu.dma_semaphore, #tpu.memory_space<semaphore_mem>>)
      %dma_wait3A = arith.constant 0 : i32
      %dma_wait3A_13 = tpu.memref_slice %arg6[%arg0, %mul3A_2, %dma_wait3A] : memref<2x10240x128xf32, #tpu.memory_space<hbm>> -> memref<1x640x128xf32, #tpu.memory_space<hbm>>
      %dma_wait3A_14 = tpu.memref_squeeze %dma_wait3A_13 : memref<1x640x128xf32, #tpu.memory_space<hbm>> -> memref<640x128xf32, #tpu.memory_space<hbm>>
      %dma_wait3A_15 = arith.constant 0 : i32
      %dma_wait3A_16 = tpu.memref_slice %arg10[%mul3A_2, %dma_wait3A_15] : memref<10240x128xf32, #tpu.memory_space<vmem_shared>> -> memref<640x128xf32, #tpu.memory_space<vmem_shared>>
      tpu.wait_dma2 semaphore(%run_scoped3A : memref<!tpu.dma_semaphore, #tpu.memory_space<semaphore_mem>>) src(%dma_wait3A_16 : memref<640x128xf32, #tpu.memory_space<vmem_shared>>) dst(%dma_wait3A_14 : memref<640x128xf32, #tpu.memory_space<hbm>>)
      tpu.yield
    }) : () -> ()
    return
  }
}

#map = affine_map<(d0, d1) -> (0, 0)>
#map1 = affine_map<(d0, d1) -> (0, 0, 0)>
module attributes {stable_mosaic.version = 14 : i64} {
  func.func @_edge_kernel(%arg0: i32, %arg1: i32, %arg2: memref<10240x128xf32, #tpu.memory_space<hbm>>, %arg3: memref<32x125x80xi32, #tpu.memory_space<hbm>>, %arg4: memref<32x125x80xi32, #tpu.memory_space<hbm>>, %arg5: memref<10240x128xf32, #tpu.memory_space<hbm>>, %arg6: memref<2x10240x128xf32, #tpu.memory_space<hbm>>, %arg7: memref<125x80xi32, #tpu.memory_space<vmem>>, %arg8: memref<125x80xi32, #tpu.memory_space<vmem>>, %arg9: memref<80x128xf32, #tpu.memory_space<vmem>>, %arg10: memref<10240x128xf32, #tpu.memory_space<vmem_shared>>, %arg11: memref<!tpu.dma_semaphore, #tpu.memory_space<semaphore_mem>>) attributes {dimension_semantics = [#tpu.dimension_semantics<core_parallel>, #tpu.dimension_semantics<subcore_parallel>], iteration_bounds = array<i64: 2, 16>, scalar_prefetch = 0 : i64, scratch_operands = 5 : i64, tpu.core_type = #tpu.core_type<sc_vector_subcore>, window_params = [{transform_indices = #map}, {transform_indices = #map1}, {transform_indices = #map1}, {transform_indices = #map}, {transform_indices = #map1}]} {
    %mul3A = arith.constant 2 : i32
    %mul3A_0 = arith.muli %arg1, %mul3A : i32
    %add3A = arith.addi %mul3A_0, %arg0 : i32
    %mul3A_1 = arith.constant 640 : i32
    %mul3A_2 = arith.muli %arg1, %mul3A_1 : i32
    "tpu.region"() ({
      %run_scoped3A = tpu.sem_alloc : memref<!tpu.dma_semaphore, #tpu.memory_space<semaphore_mem>>
      %dma_start3A = arith.constant 0 : i32
      %dma_start3A_9 = tpu.memref_slice %arg10[%mul3A_2, %dma_start3A] : memref<10240x128xf32, #tpu.memory_space<vmem_shared>> -> memref<640x128xf32, #tpu.memory_space<vmem_shared>>
      %dma_start3A_10 = arith.constant 0 : i32
      %dma_start3A_11 = tpu.memref_slice %arg5[%mul3A_2, %dma_start3A_10] : memref<10240x128xf32, #tpu.memory_space<hbm>> -> memref<640x128xf32, #tpu.memory_space<hbm>>
      tpu.enqueue_dma source(%dma_start3A_11 : memref<640x128xf32, #tpu.memory_space<hbm>>) target(%dma_start3A_9 : memref<640x128xf32, #tpu.memory_space<vmem_shared>>) target_semaphore(%run_scoped3A : memref<!tpu.dma_semaphore, #tpu.memory_space<semaphore_mem>>)
      %dma_wait3A = arith.constant 0 : i32
      %dma_wait3A_12 = tpu.memref_slice %arg10[%mul3A_2, %dma_wait3A] : memref<10240x128xf32, #tpu.memory_space<vmem_shared>> -> memref<640x128xf32, #tpu.memory_space<vmem_shared>>
      %dma_wait3A_13 = arith.constant 0 : i32
      %dma_wait3A_14 = tpu.memref_slice %arg5[%mul3A_2, %dma_wait3A_13] : memref<10240x128xf32, #tpu.memory_space<hbm>> -> memref<640x128xf32, #tpu.memory_space<hbm>>
      tpu.wait_dma2 semaphore(%run_scoped3A : memref<!tpu.dma_semaphore, #tpu.memory_space<semaphore_mem>>) src(%dma_wait3A_14 : memref<640x128xf32, #tpu.memory_space<hbm>>) dst(%dma_wait3A_12 : memref<640x128xf32, #tpu.memory_space<vmem_shared>>)
      tpu.yield
    }) : () -> ()
    "tpu.region"() ({
      %run_scoped3A = tpu.sem_alloc : memref<!tpu.dma_semaphore, #tpu.memory_space<semaphore_mem>>
      %dma_start3A = arith.constant 0 : i32
      %dma_start3A_9 = arith.constant 0 : i32
      %dma_start3A_10 = tpu.memref_slice %arg3[%add3A, %dma_start3A, %dma_start3A_9] : memref<32x125x80xi32, #tpu.memory_space<hbm>> -> memref<1x125x80xi32, #tpu.memory_space<hbm>>
      %dma_start3A_11 = tpu.memref_squeeze %dma_start3A_10 : memref<1x125x80xi32, #tpu.memory_space<hbm>> -> memref<125x80xi32, #tpu.memory_space<hbm>>
      %dma_start3A_12 = arith.constant 0 : i32
      %dma_start3A_13 = arith.constant 0 : i32
      %dma_start3A_14 = tpu.memref_slice %arg3[%add3A, %dma_start3A_12, %dma_start3A_13] : memref<32x125x80xi32, #tpu.memory_space<hbm>> -> memref<1x125x80xi32, #tpu.memory_space<hbm>>
      %dma_start3A_15 = tpu.memref_squeeze %dma_start3A_14 : memref<1x125x80xi32, #tpu.memory_space<hbm>> -> memref<125x80xi32, #tpu.memory_space<hbm>>
      tpu.enqueue_dma source(%dma_start3A_15 : memref<125x80xi32, #tpu.memory_space<hbm>>) target(%arg7 : memref<125x80xi32, #tpu.memory_space<vmem>>) target_semaphore(%run_scoped3A : memref<!tpu.dma_semaphore, #tpu.memory_space<semaphore_mem>>)
      %dma_wait3A = arith.constant 0 : i32
      %dma_wait3A_16 = arith.constant 0 : i32
      %dma_wait3A_17 = tpu.memref_slice %arg3[%add3A, %dma_wait3A, %dma_wait3A_16] : memref<32x125x80xi32, #tpu.memory_space<hbm>> -> memref<1x125x80xi32, #tpu.memory_space<hbm>>
      %dma_wait3A_18 = tpu.memref_squeeze %dma_wait3A_17 : memref<1x125x80xi32, #tpu.memory_space<hbm>> -> memref<125x80xi32, #tpu.memory_space<hbm>>
      %dma_wait3A_19 = arith.constant 0 : i32
      %dma_wait3A_20 = arith.constant 0 : i32
      %dma_wait3A_21 = tpu.memref_slice %arg3[%add3A, %dma_wait3A_19, %dma_wait3A_20] : memref<32x125x80xi32, #tpu.memory_space<hbm>> -> memref<1x125x80xi32, #tpu.memory_space<hbm>>
      %dma_wait3A_22 = tpu.memref_squeeze %dma_wait3A_21 : memref<1x125x80xi32, #tpu.memory_space<hbm>> -> memref<125x80xi32, #tpu.memory_space<hbm>>
      tpu.wait_dma2 semaphore(%run_scoped3A : memref<!tpu.dma_semaphore, #tpu.memory_space<semaphore_mem>>) src(%dma_wait3A_22 : memref<125x80xi32, #tpu.memory_space<hbm>>) dst(%arg7 : memref<125x80xi32, #tpu.memory_space<vmem>>)
      tpu.yield
    }) : () -> ()
    "tpu.region"() ({
      %run_scoped3A = tpu.sem_alloc : memref<!tpu.dma_semaphore, #tpu.memory_space<semaphore_mem>>
      %dma_start3A = arith.constant 0 : i32
      %dma_start3A_9 = arith.constant 0 : i32
      %dma_start3A_10 = tpu.memref_slice %arg4[%add3A, %dma_start3A, %dma_start3A_9] : memref<32x125x80xi32, #tpu.memory_space<hbm>> -> memref<1x125x80xi32, #tpu.memory_space<hbm>>
      %dma_start3A_11 = tpu.memref_squeeze %dma_start3A_10 : memref<1x125x80xi32, #tpu.memory_space<hbm>> -> memref<125x80xi32, #tpu.memory_space<hbm>>
      %dma_start3A_12 = arith.constant 0 : i32
      %dma_start3A_13 = arith.constant 0 : i32
      %dma_start3A_14 = tpu.memref_slice %arg4[%add3A, %dma_start3A_12, %dma_start3A_13] : memref<32x125x80xi32, #tpu.memory_space<hbm>> -> memref<1x125x80xi32, #tpu.memory_space<hbm>>
      %dma_start3A_15 = tpu.memref_squeeze %dma_start3A_14 : memref<1x125x80xi32, #tpu.memory_space<hbm>> -> memref<125x80xi32, #tpu.memory_space<hbm>>
      tpu.enqueue_dma source(%dma_start3A_15 : memref<125x80xi32, #tpu.memory_space<hbm>>) target(%arg8 : memref<125x80xi32, #tpu.memory_space<vmem>>) target_semaphore(%run_scoped3A : memref<!tpu.dma_semaphore, #tpu.memory_space<semaphore_mem>>)
      %dma_wait3A = arith.constant 0 : i32
      %dma_wait3A_16 = arith.constant 0 : i32
      %dma_wait3A_17 = tpu.memref_slice %arg4[%add3A, %dma_wait3A, %dma_wait3A_16] : memref<32x125x80xi32, #tpu.memory_space<hbm>> -> memref<1x125x80xi32, #tpu.memory_space<hbm>>
      %dma_wait3A_18 = tpu.memref_squeeze %dma_wait3A_17 : memref<1x125x80xi32, #tpu.memory_space<hbm>> -> memref<125x80xi32, #tpu.memory_space<hbm>>
      %dma_wait3A_19 = arith.constant 0 : i32
      %dma_wait3A_20 = arith.constant 0 : i32
      %dma_wait3A_21 = tpu.memref_slice %arg4[%add3A, %dma_wait3A_19, %dma_wait3A_20] : memref<32x125x80xi32, #tpu.memory_space<hbm>> -> memref<1x125x80xi32, #tpu.memory_space<hbm>>
      %dma_wait3A_22 = tpu.memref_squeeze %dma_wait3A_21 : memref<1x125x80xi32, #tpu.memory_space<hbm>> -> memref<125x80xi32, #tpu.memory_space<hbm>>
      tpu.wait_dma2 semaphore(%run_scoped3A : memref<!tpu.dma_semaphore, #tpu.memory_space<semaphore_mem>>) src(%dma_wait3A_22 : memref<125x80xi32, #tpu.memory_space<hbm>>) dst(%arg8 : memref<125x80xi32, #tpu.memory_space<vmem>>)
      tpu.yield
    }) : () -> ()
    %barrier3A = arith.constant 0 : index
    tpu.barrier barrier_id(%barrier3A)
    %scan3A = arith.constant 0 : i32
    %scan3A_3 = arith.constant 0 : i32
    %scan3A_4 = arith.constant 125 : i32
    %scan3A_5 = arith.addi %scan3A_3, %scan3A_4 : i32
    %scan3A_6 = arith.constant 1 : i32
    scf.for %scan3A_9 = %scan3A_3 to %scan3A_5 step %scan3A_6  : i32 {
      %dma_start3A = arith.constant 0 : i32
      %dma_start3A_10 = tpu.memref_slice %arg7[%scan3A_9, %dma_start3A] : memref<125x80xi32, #tpu.memory_space<vmem>> -> memref<1x80xi32, #tpu.memory_space<vmem>>
      %dma_start3A_11 = tpu.memref_squeeze %dma_start3A_10 : memref<1x80xi32, #tpu.memory_space<vmem>> -> memref<80xi32, #tpu.memory_space<vmem>>
      %dma_start3A_12 = arith.constant 0 : i32
      %dma_start3A_13 = arith.constant 0 : i32
      %dma_start3A_14 = tpu.memref_slice %arg2[%dma_start3A_12, %dma_start3A_13] : memref<10240x128xf32, #tpu.memory_space<hbm>> -> memref<10240x128xf32, #tpu.memory_space<hbm>>
      tpu.enqueue_indirect_dma source(%dma_start3A_14 : memref<10240x128xf32, #tpu.memory_space<hbm>>) target(%arg9 : memref<80x128xf32, #tpu.memory_space<vmem>>) offsets(%dma_start3A_11 : memref<80xi32, #tpu.memory_space<vmem>>) semaphore(%arg11 : memref<!tpu.dma_semaphore, #tpu.memory_space<semaphore_mem>>)
      %dma_wait3A = arith.constant 0 : i32
      %dma_wait3A_15 = tpu.memref_slice %arg7[%scan3A_9, %dma_wait3A] : memref<125x80xi32, #tpu.memory_space<vmem>> -> memref<1x80xi32, #tpu.memory_space<vmem>>
      %dma_wait3A_16 = tpu.memref_squeeze %dma_wait3A_15 : memref<1x80xi32, #tpu.memory_space<vmem>> -> memref<80xi32, #tpu.memory_space<vmem>>
      %dma_wait3A_17 = arith.constant 0 : i32
      %dma_wait3A_18 = arith.constant 0 : i32
      %dma_wait3A_19 = tpu.memref_slice %arg2[%dma_wait3A_17, %dma_wait3A_18] : memref<10240x128xf32, #tpu.memory_space<hbm>> -> memref<10240x128xf32, #tpu.memory_space<hbm>>
      tpu.wait_indirect_dma semaphore(%arg11 : memref<!tpu.dma_semaphore, #tpu.memory_space<semaphore_mem>>) src(%dma_wait3A_19 : memref<10240x128xf32, #tpu.memory_space<hbm>>) dst(%arg9 : memref<80x128xf32, #tpu.memory_space<vmem>>)
      "tpu.region"() ({
        %run_scoped3A = tpu.sem_alloc : memref<!tpu.dma_semaphore, #tpu.memory_space<semaphore_mem>>
        %dma_start3A_20 = arith.constant 0 : i32
        %dma_start3A_21 = tpu.memref_slice %arg8[%scan3A_9, %dma_start3A_20] : memref<125x80xi32, #tpu.memory_space<vmem>> -> memref<1x80xi32, #tpu.memory_space<vmem>>
        %dma_start3A_22 = tpu.memref_squeeze %dma_start3A_21 : memref<1x80xi32, #tpu.memory_space<vmem>> -> memref<80xi32, #tpu.memory_space<vmem>>
        %dma_start3A_23 = arith.constant 0 : i32
        %dma_start3A_24 = arith.constant 0 : i32
        %dma_start3A_25 = tpu.memref_slice %arg10[%dma_start3A_23, %dma_start3A_24] : memref<10240x128xf32, #tpu.memory_space<vmem_shared>> -> memref<10240x128xf32, #tpu.memory_space<vmem_shared>>
        tpu.enqueue_indirect_dma source(%arg9 : memref<80x128xf32, #tpu.memory_space<vmem>>) target(%dma_start3A_25 : memref<10240x128xf32, #tpu.memory_space<vmem_shared>>) offsets(%dma_start3A_22 : memref<80xi32, #tpu.memory_space<vmem>>) semaphore(%run_scoped3A : memref<!tpu.dma_semaphore, #tpu.memory_space<semaphore_mem>>) {add = true}
        %dma_wait3A_26 = arith.constant 0 : i32
        %dma_wait3A_27 = tpu.memref_slice %arg8[%scan3A_9, %dma_wait3A_26] : memref<125x80xi32, #tpu.memory_space<vmem>> -> memref<1x80xi32, #tpu.memory_space<vmem>>
        %dma_wait3A_28 = tpu.memref_squeeze %dma_wait3A_27 : memref<1x80xi32, #tpu.memory_space<vmem>> -> memref<80xi32, #tpu.memory_space<vmem>>
        %dma_wait3A_29 = arith.constant 0 : i32
        %dma_wait3A_30 = arith.constant 0 : i32
        %dma_wait3A_31 = tpu.memref_slice %arg10[%dma_wait3A_29, %dma_wait3A_30] : memref<10240x128xf32, #tpu.memory_space<vmem_shared>> -> memref<10240x128xf32, #tpu.memory_space<vmem_shared>>
        tpu.wait_indirect_dma semaphore(%run_scoped3A : memref<!tpu.dma_semaphore, #tpu.memory_space<semaphore_mem>>) src(%arg9 : memref<80x128xf32, #tpu.memory_space<vmem>>) dst(%dma_wait3A_31 : memref<10240x128xf32, #tpu.memory_space<vmem_shared>>)
        tpu.yield
      }) : () -> ()
    }
    %scan3A_7 = arith.constant 125 : i32
    %barrier3A_8 = arith.constant 0 : index
    tpu.barrier barrier_id(%barrier3A_8)
    "tpu.region"() ({
      %run_scoped3A = tpu.sem_alloc : memref<!tpu.dma_semaphore, #tpu.memory_space<semaphore_mem>>
      %dma_start3A = arith.constant 0 : i32
      %dma_start3A_9 = tpu.memref_slice %arg6[%arg0, %mul3A_2, %dma_start3A] : memref<2x10240x128xf32, #tpu.memory_space<hbm>> -> memref<1x640x128xf32, #tpu.memory_space<hbm>>
      %dma_start3A_10 = tpu.memref_squeeze %dma_start3A_9 : memref<1x640x128xf32, #tpu.memory_space<hbm>> -> memref<640x128xf32, #tpu.memory_space<hbm>>
      %dma_start3A_11 = arith.constant 0 : i32
      %dma_start3A_12 = tpu.memref_slice %arg10[%mul3A_2, %dma_start3A_11] : memref<10240x128xf32, #tpu.memory_space<vmem_shared>> -> memref<640x128xf32, #tpu.memory_space<vmem_shared>>
      tpu.enqueue_dma source(%dma_start3A_12 : memref<640x128xf32, #tpu.memory_space<vmem_shared>>) target(%dma_start3A_10 : memref<640x128xf32, #tpu.memory_space<hbm>>) target_semaphore(%run_scoped3A : memref<!tpu.dma_semaphore, #tpu.memory_space<semaphore_mem>>)
      %dma_wait3A = arith.constant 0 : i32
      %dma_wait3A_13 = tpu.memref_slice %arg6[%arg0, %mul3A_2, %dma_wait3A] : memref<2x10240x128xf32, #tpu.memory_space<hbm>> -> memref<1x640x128xf32, #tpu.memory_space<hbm>>
      %dma_wait3A_14 = tpu.memref_squeeze %dma_wait3A_13 : memref<1x640x128xf32, #tpu.memory_space<hbm>> -> memref<640x128xf32, #tpu.memory_space<hbm>>
      %dma_wait3A_15 = arith.constant 0 : i32
      %dma_wait3A_16 = tpu.memref_slice %arg10[%mul3A_2, %dma_wait3A_15] : memref<10240x128xf32, #tpu.memory_space<vmem_shared>> -> memref<640x128xf32, #tpu.memory_space<vmem_shared>>
      tpu.wait_dma2 semaphore(%run_scoped3A : memref<!tpu.dma_semaphore, #tpu.memory_space<semaphore_mem>>) src(%dma_wait3A_16 : memref<640x128xf32, #tpu.memory_space<vmem_shared>>) dst(%dma_wait3A_14 : memref<640x128xf32, #tpu.memory_space<hbm>>)
      tpu.yield
    }) : () -> ()
    return
  }
}

module attributes {stable_mosaic.version = 14 : i64} {
  func.func @_deg_body(%arg0: i32, %arg1: memref<1x1x3200xi32, #tpu.memory_space<vmem>>, %arg2: memref<1x1x3200xi32, #tpu.memory_space<vmem>>, %arg3: memref<2x80x128xf32, #tpu.memory_space<vmem>>) attributes {dimension_semantics = [#tpu.dimension_semantics<arbitrary>], iteration_bounds = array<i64: 100>, scalar_prefetch = 0 : i64, scratch_operands = 0 : i64, tpu.core_type = #tpu.core_type<tc>, window_params = [{transform_indices = @transform_0, window_bounds = array<i64: 1, 1, 3200>}, {transform_indices = @transform_1, window_bounds = array<i64: 1, 1, 3200>}, {pipeline_mode = #tpu.pipeline_mode<synchronous>, transform_indices = @transform_2, window_bounds = array<i64: 2, 80, 128>}]} {
    %eq3A = arith.constant 0 : i32
    %eq3A_0 = arith.cmpi eq, %arg0, %eq3A : i32
    %convert_element_type3A = arith.extui %eq3A_0 : i1 to i32
    %cond3A = arith.constant 0 : i32
    %cond3A_1 = arith.cmpi ne, %convert_element_type3A, %cond3A : i32
    scf.if %cond3A_1 {
      %broadcast_in_dim3A_72 = arith.constant 0.000000e+00 : f32
      %broadcast_in_dim3A_73 = vector.broadcast %broadcast_in_dim3A_72 : f32 to vector<2x80x128xf32>
      %swap3A_74 = arith.constant 0 : index
      %swap3A_75 = arith.constant 0 : index
      %swap3A_76 = arith.constant 0 : index
      %swap3A_77 = vector.load %arg3[%swap3A_74, %swap3A_75, %swap3A_76] : memref<2x80x128xf32, #tpu.memory_space<vmem>>, vector<2x80x128xf32>
      tpu.vector_store %arg3[%swap3A_74, %swap3A_75, %swap3A_76], %broadcast_in_dim3A_73 {strides = array<i32>} : memref<2x80x128xf32, #tpu.memory_space<vmem>>, vector<2x80x128xf32>,
    } else {
    }
    %get3A = arith.constant 0 : index
    %get3A_2 = arith.constant 0 : index
    %get3A_3 = arith.constant 0 : index
    %get3A_4 = vector.load %arg1[%get3A, %get3A_2, %get3A_3] : memref<1x1x3200xi32, #tpu.memory_space<vmem>>, vector<1x1x3200xi32>
    %get3A_5 = vector.shape_cast %get3A_4 : vector<1x1x3200xi32> to vector<3200xi32>
    %shift_right_logical3A = arith.constant 7 : i32
    %shift_right_logical3A_6 = vector.broadcast %shift_right_logical3A : i32 to vector<3200xi32>
    %shift_right_logical3A_7 = arith.shrui %get3A_5, %shift_right_logical3A_6 : vector<3200xi32>
    %broadcast_in_dim3A = vector.shape_cast %shift_right_logical3A_7 : vector<3200xi32> to vector<3200x1xi32>
    %and3A = arith.constant 127 : i32
    %and3A_8 = vector.broadcast %and3A : i32 to vector<3200xi32>
    %and3A_9 = arith.andi %get3A_5, %and3A_8 : vector<3200xi32>
    %broadcast_in_dim3A_10 = vector.shape_cast %and3A_9 : vector<3200xi32> to vector<3200x1xi32>
    %iota3A = tpu.iota {dimensions = array<i32: 1>} : vector<3200x80xi32>
    %eq3A_11 = vector.broadcast %broadcast_in_dim3A : vector<3200x1xi32> to vector<3200x80xi32>
    %eq3A_12 = arith.cmpi eq, %eq3A_11, %iota3A : vector<3200x80xi32>
    %convert_element_type3A_13 = arith.extui %eq3A_12 : vector<3200x80xi1> to vector<3200x80xi32>
    %convert_element_type3A_14 = arith.sitofp %convert_element_type3A_13 : vector<3200x80xi32> to vector<3200x80xf32>
    %convert_element_type3A_15 = arith.truncf %convert_element_type3A_14 : vector<3200x80xf32> to vector<3200x80xbf16>
    %iota3A_16 = tpu.iota {dimensions = array<i32: 1>} : vector<3200x128xi32>
    %eq3A_17 = vector.broadcast %broadcast_in_dim3A_10 : vector<3200x1xi32> to vector<3200x128xi32>
    %eq3A_18 = arith.cmpi eq, %eq3A_17, %iota3A_16 : vector<3200x128xi32>
    %convert_element_type3A_19 = arith.extui %eq3A_18 : vector<3200x128xi1> to vector<3200x128xi32>
    %convert_element_type3A_20 = arith.sitofp %convert_element_type3A_19 : vector<3200x128xi32> to vector<3200x128xf32>
    %convert_element_type3A_21 = arith.truncf %convert_element_type3A_20 : vector<3200x128xf32> to vector<3200x128xbf16>
    %get3A_22 = arith.constant 0 : index
    %get3A_23 = arith.constant 0 : index
    %get3A_24 = arith.constant 0 : index
    %get3A_25 = vector.load %arg3[%get3A_22, %get3A_23, %get3A_24] : memref<2x80x128xf32, #tpu.memory_space<vmem>>, vector<1x80x128xf32>
    %get3A_26 = vector.shape_cast %get3A_25 : vector<1x80x128xf32> to vector<80x128xf32>
    %dot_general3A = arith.constant dense<0.000000e+00> : vector<80x128xf32>
    %dot_general3A_27 = tpu.matmul %convert_element_type3A_15, %convert_element_type3A_21, %dot_general3A {dimension_numbers = #tpu.dot_dimension_numbers<[0], [0], [1], [1], [0, 1, 1, 1], [], []>, transpose_lhs_hint = false} : vector<3200x80xbf16>, vector<3200x128xbf16>, vector<80x128xf32> -> vector<80x128xf32>
    %add3A = arith.addf %get3A_26, %dot_general3A_27 : vector<80x128xf32>
    %swap3A = arith.constant 0 : index
    %swap3A_28 = arith.constant 0 : index
    %swap3A_29 = arith.constant 0 : index
    %swap3A_30 = vector.load %arg3[%swap3A, %swap3A_28, %swap3A_29] : memref<2x80x128xf32, #tpu.memory_space<vmem>>, vector<1x80x128xf32>
    %swap3A_31 = vector.shape_cast %swap3A_30 : vector<1x80x128xf32> to vector<80x128xf32>
    %swap3A_32 = vector.shape_cast %add3A : vector<80x128xf32> to vector<1x80x128xf32>
    tpu.vector_store %arg3[%swap3A, %swap3A_28, %swap3A_29], %swap3A_32 {strides = array<i32>} : memref<2x80x128xf32, #tpu.memory_space<vmem>>, vector<1x80x128xf32>,
    %get3A_33 = arith.constant 0 : index
    %get3A_34 = arith.constant 0 : index
    %get3A_35 = arith.constant 0 : index
    %get3A_36 = vector.load %arg2[%get3A_33, %get3A_34, %get3A_35] : memref<1x1x3200xi32, #tpu.memory_space<vmem>>, vector<1x1x3200xi32>
    %get3A_37 = vector.shape_cast %get3A_36 : vector<1x1x3200xi32> to vector<3200xi32>
    %shift_right_logical3A_38 = arith.constant 7 : i32
    %shift_right_logical3A_39 = vector.broadcast %shift_right_logical3A_38 : i32 to vector<3200xi32>
    %shift_right_logical3A_40 = arith.shrui %get3A_37, %shift_right_logical3A_39 : vector<3200xi32>
    %broadcast_in_dim3A_41 = vector.shape_cast %shift_right_logical3A_40 : vector<3200xi32> to vector<3200x1xi32>
    %and3A_42 = arith.constant 127 : i32
    %and3A_43 = vector.broadcast %and3A_42 : i32 to vector<3200xi32>
    %and3A_44 = arith.andi %get3A_37, %and3A_43 : vector<3200xi32>
    %broadcast_in_dim3A_45 = vector.shape_cast %and3A_44 : vector<3200xi32> to vector<3200x1xi32>
    %iota3A_46 = tpu.iota {dimensions = array<i32: 1>} : vector<3200x80xi32>
    %eq3A_47 = vector.broadcast %broadcast_in_dim3A_41 : vector<3200x1xi32> to vector<3200x80xi32>
    %eq3A_48 = arith.cmpi eq, %eq3A_47, %iota3A_46 : vector<3200x80xi32>
    %convert_element_type3A_49 = arith.extui %eq3A_48 : vector<3200x80xi1> to vector<3200x80xi32>
    %convert_element_type3A_50 = arith.sitofp %convert_element_type3A_49 : vector<3200x80xi32> to vector<3200x80xf32>
    %convert_element_type3A_51 = arith.truncf %convert_element_type3A_50 : vector<3200x80xf32> to vector<3200x80xbf16>
    %iota3A_52 = tpu.iota {dimensions = array<i32: 1>} : vector<3200x128xi32>
    %eq3A_53 = vector.broadcast %broadcast_in_dim3A_45 : vector<3200x1xi32> to vector<3200x128xi32>
    %eq3A_54 = arith.cmpi eq, %eq3A_53, %iota3A_52 : vector<3200x128xi32>
    %convert_element_type3A_55 = arith.extui %eq3A_54 : vector<3200x128xi1> to vector<3200x128xi32>
    %convert_element_type3A_56 = arith.sitofp %convert_element_type3A_55 : vector<3200x128xi32> to vector<3200x128xf32>
    %convert_element_type3A_57 = arith.truncf %convert_element_type3A_56 : vector<3200x128xf32> to vector<3200x128xbf16>
    %get3A_58 = arith.constant 1 : index
    %get3A_59 = arith.constant 0 : index
    %get3A_60 = arith.constant 0 : index
    %get3A_61 = vector.load %arg3[%get3A_58, %get3A_59, %get3A_60] : memref<2x80x128xf32, #tpu.memory_space<vmem>>, vector<1x80x128xf32>
    %get3A_62 = vector.shape_cast %get3A_61 : vector<1x80x128xf32> to vector<80x128xf32>
    %dot_general3A_63 = arith.constant dense<0.000000e+00> : vector<80x128xf32>
    %dot_general3A_64 = tpu.matmul %convert_element_type3A_51, %convert_element_type3A_57, %dot_general3A_63 {dimension_numbers = #tpu.dot_dimension_numbers<[0], [0], [1], [1], [0, 1, 1, 1], [], []>, transpose_lhs_hint = false} : vector<3200x80xbf16>, vector<3200x128xbf16>, vector<80x128xf32> -> vector<80x128xf32>
    %add3A_65 = arith.addf %get3A_62, %dot_general3A_64 : vector<80x128xf32>
    %swap3A_66 = arith.constant 1 : index
    %swap3A_67 = arith.constant 0 : index
    %swap3A_68 = arith.constant 0 : index
    %swap3A_69 = vector.load %arg3[%swap3A_66, %swap3A_67, %swap3A_68] : memref<2x80x128xf32, #tpu.memory_space<vmem>>, vector<1x80x128xf32>
    %swap3A_70 = vector.shape_cast %swap3A_69 : vector<1x80x128xf32> to vector<80x128xf32>
    %swap3A_71 = vector.shape_cast %add3A_65 : vector<80x128xf32> to vector<1x80x128xf32>
    tpu.vector_store %arg3[%swap3A_66, %swap3A_67, %swap3A_68], %swap3A_71 {strides = array<i32>} : memref<2x80x128xf32, #tpu.memory_space<vmem>>, vector<1x80x128xf32>,
    return
  }
  func.func @transform_0(%arg0: i32) -> (i32, i32, i32) {
    %c0_i32 = arith.constant 0 : i32
    %c0_i32_0 = arith.constant 0 : i32
    %c0_i32_1 = arith.constant 0 : i32
    return %arg0, %c0_i32, %c0_i32_0 : i32, i32, i32
  }
  func.func @transform_1(%arg0: i32) -> (i32, i32, i32) {
    %c0_i32 = arith.constant 0 : i32
    %c0_i32_0 = arith.constant 0 : i32
    %c0_i32_1 = arith.constant 0 : i32
    return %arg0, %c0_i32, %c0_i32_0 : i32, i32, i32
  }
  func.func @transform_2(%arg0: i32) -> (i32, i32, i32) {
    %c0_i32 = arith.constant 0 : i32
    %c0_i32_0 = arith.constant 0 : i32
    %c0_i32_1 = arith.constant 0 : i32
    %c0_i32_2 = arith.constant 0 : i32
    return %c0_i32, %c0_i32_0, %c0_i32_1 : i32, i32, i32
  }
}

module attributes {stable_mosaic.version = 14 : i64} {
  func.func @_d1_body(%arg0: i32, %arg1: memref<2x8x128xf32, #tpu.memory_space<vmem>>, %arg2: memref<1024x128xf32, #tpu.memory_space<vmem>>, %arg3: memref<128x128xf32, #tpu.memory_space<vmem>>, %arg4: memref<1024x128xf32, #tpu.memory_space<vmem>>, %arg5: memref<1024x1xf32, #tpu.memory_space<vmem>>, %arg6: memref<1024x1xf32, #tpu.memory_space<vmem>>) attributes {dimension_semantics = [#tpu.dimension_semantics<arbitrary>], iteration_bounds = array<i64: 10>, scalar_prefetch = 0 : i64, scratch_operands = 0 : i64, tpu.core_type = #tpu.core_type<tc>, window_params = [{transform_indices = @transform_0, window_bounds = array<i64: 2, 8, 128>}, {transform_indices = @transform_1, window_bounds = array<i64: 1024, 128>}, {pipeline_mode = #tpu.pipeline_mode<synchronous>, transform_indices = @transform_2, window_bounds = array<i64: 128, 128>}, {transform_indices = @transform_3, window_bounds = array<i64: 1024, 128>}, {transform_indices = @transform_4, window_bounds = array<i64: 1024, 1>}, {transform_indices = @transform_5, window_bounds = array<i64: 1024, 1>}]} {
    %get3A = arith.constant 0 : index
    %get3A_0 = arith.constant 0 : index
    %get3A_1 = arith.constant 0 : index
    %get3A_2 = vector.load %arg1[%get3A, %get3A_0, %get3A_1] : memref<2x8x128xf32, #tpu.memory_space<vmem>>, vector<1x8x128xf32>
    %get3A_3 = vector.shape_cast %get3A_2 : vector<1x8x128xf32> to vector<8x128xf32>
    %iota3A = tpu.iota {dimensions = array<i32: 0>} : vector<1024x8xi32>
    %jit3A = arith.constant 128 : i32
    %div3A = vector.broadcast %jit3A : i32 to vector<1024x8xi32>
    %div3A_4 = arith.divsi %iota3A, %div3A : vector<1024x8xi32>
    %sign3A = arith.constant 0 : i32
    %sign3A_5 = vector.broadcast %sign3A : i32 to vector<1024x8xi32>
    %sign3A_6 = arith.cmpi sgt, %iota3A, %sign3A_5 : vector<1024x8xi32>
    %sign3A_7 = arith.extui %sign3A_6 : vector<1024x8xi1> to vector<1024x8xi32>
    %sign3A_8 = arith.constant 0 : i32
    %sign3A_9 = vector.broadcast %sign3A_8 : i32 to vector<1024x8xi32>
    %sign3A_10 = arith.cmpi slt, %iota3A, %sign3A_9 : vector<1024x8xi32>
    %sign3A_11 = arith.extui %sign3A_10 : vector<1024x8xi1> to vector<1024x8xi32>
    %sign3A_12 = arith.subi %sign3A_7, %sign3A_11 : vector<1024x8xi32>
    %sign3A_13 = arith.constant 0 : i32
    %sign3A_14 = arith.cmpi sgt, %jit3A, %sign3A_13 : i32
    %sign3A_15 = arith.extui %sign3A_14 : i1 to i32
    %sign3A_16 = arith.constant 0 : i32
    %sign3A_17 = arith.cmpi slt, %jit3A, %sign3A_16 : i32
    %sign3A_18 = arith.extui %sign3A_17 : i1 to i32
    %sign3A_19 = arith.subi %sign3A_15, %sign3A_18 : i32
    %ne3A = vector.broadcast %sign3A_19 : i32 to vector<1024x8xi32>
    %ne3A_20 = arith.cmpi ne, %sign3A_12, %ne3A : vector<1024x8xi32>
    %rem3A = vector.broadcast %jit3A : i32 to vector<1024x8xi32>
    %rem3A_21 = arith.remsi %iota3A, %rem3A : vector<1024x8xi32>
    %ne3A_22 = arith.constant 0 : i32
    %ne3A_23 = vector.broadcast %ne3A_22 : i32 to vector<1024x8xi32>
    %ne3A_24 = arith.cmpi ne, %rem3A_21, %ne3A_23 : vector<1024x8xi32>
    %and3A = arith.andi %ne3A_20, %ne3A_24 : vector<1024x8xi1>
    %sub3A = arith.constant 1 : i32
    %sub3A_25 = vector.broadcast %sub3A : i32 to vector<1024x8xi32>
    %sub3A_26 = arith.subi %div3A_4, %sub3A_25 : vector<1024x8xi32>
    %select_n3A = arith.select %and3A, %sub3A_26, %div3A_4 : vector<1024x8xi1>, vector<1024x8xi32>
    %iota3A_27 = tpu.iota {dimensions = array<i32: 1>} : vector<1024x8xi32>
    %eq3A = arith.cmpi eq, %select_n3A, %iota3A_27 : vector<1024x8xi32>
    %convert_element_type3A = arith.extui %eq3A : vector<1024x8xi1> to vector<1024x8xi32>
    %convert_element_type3A_28 = arith.sitofp %convert_element_type3A : vector<1024x8xi32> to vector<1024x8xf32>
    %dot_general3A = arith.constant dense<0.000000e+00> : vector<1024x128xf32>
    %dot_general3A_29 = tpu.matmul %convert_element_type3A_28, %get3A_3, %dot_general3A {dimension_numbers = #tpu.dot_dimension_numbers<[1], [0], [0], [1], [0, 0, 1, 1], [], []>, transpose_lhs_hint = false} : vector<1024x8xf32>, vector<8x128xf32>, vector<1024x128xf32> -> vector<1024x128xf32>
    %iota3A_30 = tpu.iota {dimensions = array<i32: 0>} : vector<1024x128xi32>
    %jit3A_31 = arith.constant 128 : i32
    %eq3A_32 = arith.constant 0 : i32
    %eq3A_33 = arith.cmpi eq, %jit3A_31, %eq3A_32 : i32
    %jit3A_34 = arith.constant 1 : i32
    %select_n3A_35 = arith.select %eq3A_33, %jit3A_34, %jit3A_31 : i32
    %rem3A_36 = vector.broadcast %select_n3A_35 : i32 to vector<1024x128xi32>
    %rem3A_37 = arith.remsi %iota3A_30, %rem3A_36 : vector<1024x128xi32>
    %ne3A_38 = arith.constant 0 : i32
    %ne3A_39 = vector.broadcast %ne3A_38 : i32 to vector<1024x128xi32>
    %ne3A_40 = arith.cmpi ne, %rem3A_37, %ne3A_39 : vector<1024x128xi32>
    %lt3A = arith.constant 0 : i32
    %lt3A_41 = vector.broadcast %lt3A : i32 to vector<1024x128xi32>
    %lt3A_42 = arith.cmpi slt, %rem3A_37, %lt3A_41 : vector<1024x128xi32>
    %lt3A_43 = arith.constant 0 : i32
    %lt3A_44 = arith.cmpi slt, %select_n3A_35, %lt3A_43 : i32
    %ne3A_45 = vector.broadcast %lt3A_44 : i1 to vector<1024x128xi1>
    %ne3A_46 = vector.broadcast %ne3A_45 : vector<1024x128xi1> to vector<1024x128xi1>
    %ne3A_47 = arith.xori %lt3A_42, %ne3A_46 : vector<1024x128xi1>
    %and3A_48 = arith.andi %ne3A_47, %ne3A_40 : vector<1024x128xi1>
    %add3A = vector.broadcast %select_n3A_35 : i32 to vector<1024x128xi32>
    %add3A_49 = arith.addi %rem3A_37, %add3A : vector<1024x128xi32>
    %select_n3A_50 = arith.select %and3A_48, %add3A_49, %rem3A_37 : vector<1024x128xi1>, vector<1024x128xi32>
    %iota3A_51 = tpu.iota {dimensions = array<i32: 1>} : vector<1024x128xi32>
    %eq3A_52 = arith.cmpi eq, %select_n3A_50, %iota3A_51 : vector<1024x128xi32>
    %convert_element_type3A_53 = arith.extui %eq3A_52 : vector<1024x128xi1> to vector<1024x128xi32>
    %convert_element_type3A_54 = arith.sitofp %convert_element_type3A_53 : vector<1024x128xi32> to vector<1024x128xf32>
    %mul3A = arith.mulf %dot_general3A_29, %convert_element_type3A_54 : vector<1024x128xf32>
    %reduce_sum3A = arith.constant dense<0.000000e+00> : vector<1024xf32>
    %reduce_sum3A_55 = vector.multi_reduction <add>, %mul3A, %reduce_sum3A [1] : vector<1024x128xf32> to vector<1024xf32>
    %broadcast_in_dim3A = vector.shape_cast %reduce_sum3A_55 : vector<1024xf32> to vector<1024x1xf32>
    %gt3A = arith.constant 0.000000e+00 : f32
    %gt3A_56 = vector.broadcast %gt3A : f32 to vector<1024x1xf32>
    %gt3A_57 = arith.cmpf ogt, %broadcast_in_dim3A, %gt3A_56 : vector<1024x1xf32>
    %max3A = arith.constant 1.000000e+00 : f32
    %max3A_58 = vector.broadcast %max3A : f32 to vector<1024x1xf32>
    %max3A_59 = arith.maximumf %broadcast_in_dim3A, %max3A_58 : vector<1024x1xf32>
    %rsqrt3A = math.rsqrt %max3A_59 : vector<1024x1xf32>
    %jit3A_60 = arith.constant 0.000000e+00 : f32
    %broadcast_in_dim3A_61 = vector.broadcast %jit3A_60 : f32 to vector<1024x1xf32>
    %select_n3A_62 = arith.select %gt3A_57, %rsqrt3A, %broadcast_in_dim3A_61 : vector<1024x1xi1>, vector<1024x1xf32>
    %get3A_63 = arith.constant 1 : index
    %get3A_64 = arith.constant 0 : index
    %get3A_65 = arith.constant 0 : index
    %get3A_66 = vector.load %arg1[%get3A_63, %get3A_64, %get3A_65] : memref<2x8x128xf32, #tpu.memory_space<vmem>>, vector<1x8x128xf32>
    %get3A_67 = vector.shape_cast %get3A_66 : vector<1x8x128xf32> to vector<8x128xf32>
    %iota3A_68 = tpu.iota {dimensions = array<i32: 0>} : vector<1024x8xi32>
    %jit3A_69 = arith.constant 128 : i32
    %div3A_70 = vector.broadcast %jit3A_69 : i32 to vector<1024x8xi32>
    %div3A_71 = arith.divsi %iota3A_68, %div3A_70 : vector<1024x8xi32>
    %sign3A_72 = arith.constant 0 : i32
    %sign3A_73 = vector.broadcast %sign3A_72 : i32 to vector<1024x8xi32>
    %sign3A_74 = arith.cmpi sgt, %iota3A_68, %sign3A_73 : vector<1024x8xi32>
    %sign3A_75 = arith.extui %sign3A_74 : vector<1024x8xi1> to vector<1024x8xi32>
    %sign3A_76 = arith.constant 0 : i32
    %sign3A_77 = vector.broadcast %sign3A_76 : i32 to vector<1024x8xi32>
    %sign3A_78 = arith.cmpi slt, %iota3A_68, %sign3A_77 : vector<1024x8xi32>
    %sign3A_79 = arith.extui %sign3A_78 : vector<1024x8xi1> to vector<1024x8xi32>
    %sign3A_80 = arith.subi %sign3A_75, %sign3A_79 : vector<1024x8xi32>
    %sign3A_81 = arith.constant 0 : i32
    %sign3A_82 = arith.cmpi sgt, %jit3A_69, %sign3A_81 : i32
    %sign3A_83 = arith.extui %sign3A_82 : i1 to i32
    %sign3A_84 = arith.constant 0 : i32
    %sign3A_85 = arith.cmpi slt, %jit3A_69, %sign3A_84 : i32
    %sign3A_86 = arith.extui %sign3A_85 : i1 to i32
    %sign3A_87 = arith.subi %sign3A_83, %sign3A_86 : i32
    %ne3A_88 = vector.broadcast %sign3A_87 : i32 to vector<1024x8xi32>
    %ne3A_89 = arith.cmpi ne, %sign3A_80, %ne3A_88 : vector<1024x8xi32>
    %rem3A_90 = vector.broadcast %jit3A_69 : i32 to vector<1024x8xi32>
    %rem3A_91 = arith.remsi %iota3A_68, %rem3A_90 : vector<1024x8xi32>
    %ne3A_92 = arith.constant 0 : i32
    %ne3A_93 = vector.broadcast %ne3A_92 : i32 to vector<1024x8xi32>
    %ne3A_94 = arith.cmpi ne, %rem3A_91, %ne3A_93 : vector<1024x8xi32>
    %and3A_95 = arith.andi %ne3A_89, %ne3A_94 : vector<1024x8xi1>
    %sub3A_96 = arith.constant 1 : i32
    %sub3A_97 = vector.broadcast %sub3A_96 : i32 to vector<1024x8xi32>
    %sub3A_98 = arith.subi %div3A_71, %sub3A_97 : vector<1024x8xi32>
    %select_n3A_99 = arith.select %and3A_95, %sub3A_98, %div3A_71 : vector<1024x8xi1>, vector<1024x8xi32>
    %iota3A_100 = tpu.iota {dimensions = array<i32: 1>} : vector<1024x8xi32>
    %eq3A_101 = arith.cmpi eq, %select_n3A_99, %iota3A_100 : vector<1024x8xi32>
    %convert_element_type3A_102 = arith.extui %eq3A_101 : vector<1024x8xi1> to vector<1024x8xi32>
    %convert_element_type3A_103 = arith.sitofp %convert_element_type3A_102 : vector<1024x8xi32> to vector<1024x8xf32>
    %dot_general3A_104 = arith.constant dense<0.000000e+00> : vector<1024x128xf32>
    %dot_general3A_105 = tpu.matmul %convert_element_type3A_103, %get3A_67, %dot_general3A_104 {dimension_numbers = #tpu.dot_dimension_numbers<[1], [0], [0], [1], [0, 0, 1, 1], [], []>, transpose_lhs_hint = false} : vector<1024x8xf32>, vector<8x128xf32>, vector<1024x128xf32> -> vector<1024x128xf32>
    %iota3A_106 = tpu.iota {dimensions = array<i32: 0>} : vector<1024x128xi32>
    %jit3A_107 = arith.constant 128 : i32
    %eq3A_108 = arith.constant 0 : i32
    %eq3A_109 = arith.cmpi eq, %jit3A_107, %eq3A_108 : i32
    %jit3A_110 = arith.constant 1 : i32
    %select_n3A_111 = arith.select %eq3A_109, %jit3A_110, %jit3A_107 : i32
    %rem3A_112 = vector.broadcast %select_n3A_111 : i32 to vector<1024x128xi32>
    %rem3A_113 = arith.remsi %iota3A_106, %rem3A_112 : vector<1024x128xi32>
    %ne3A_114 = arith.constant 0 : i32
    %ne3A_115 = vector.broadcast %ne3A_114 : i32 to vector<1024x128xi32>
    %ne3A_116 = arith.cmpi ne, %rem3A_113, %ne3A_115 : vector<1024x128xi32>
    %lt3A_117 = arith.constant 0 : i32
    %lt3A_118 = vector.broadcast %lt3A_117 : i32 to vector<1024x128xi32>
    %lt3A_119 = arith.cmpi slt, %rem3A_113, %lt3A_118 : vector<1024x128xi32>
    %lt3A_120 = arith.constant 0 : i32
    %lt3A_121 = arith.cmpi slt, %select_n3A_111, %lt3A_120 : i32
    %ne3A_122 = vector.broadcast %lt3A_121 : i1 to vector<1024x128xi1>
    %ne3A_123 = vector.broadcast %ne3A_122 : vector<1024x128xi1> to vector<1024x128xi1>
    %ne3A_124 = arith.xori %lt3A_119, %ne3A_123 : vector<1024x128xi1>
    %and3A_125 = arith.andi %ne3A_124, %ne3A_116 : vector<1024x128xi1>
    %add3A_126 = vector.broadcast %select_n3A_111 : i32 to vector<1024x128xi32>
    %add3A_127 = arith.addi %rem3A_113, %add3A_126 : vector<1024x128xi32>
    %select_n3A_128 = arith.select %and3A_125, %add3A_127, %rem3A_113 : vector<1024x128xi1>, vector<1024x128xi32>
    %iota3A_129 = tpu.iota {dimensions = array<i32: 1>} : vector<1024x128xi32>
    %eq3A_130 = arith.cmpi eq, %select_n3A_128, %iota3A_129 : vector<1024x128xi32>
    %convert_element_type3A_131 = arith.extui %eq3A_130 : vector<1024x128xi1> to vector<1024x128xi32>
    %convert_element_type3A_132 = arith.sitofp %convert_element_type3A_131 : vector<1024x128xi32> to vector<1024x128xf32>
    %mul3A_133 = arith.mulf %dot_general3A_105, %convert_element_type3A_132 : vector<1024x128xf32>
    %reduce_sum3A_134 = arith.constant dense<0.000000e+00> : vector<1024xf32>
    %reduce_sum3A_135 = vector.multi_reduction <add>, %mul3A_133, %reduce_sum3A_134 [1] : vector<1024x128xf32> to vector<1024xf32>
    %broadcast_in_dim3A_136 = vector.shape_cast %reduce_sum3A_135 : vector<1024xf32> to vector<1024x1xf32>
    %gt3A_137 = arith.constant 0.000000e+00 : f32
    %gt3A_138 = vector.broadcast %gt3A_137 : f32 to vector<1024x1xf32>
    %gt3A_139 = arith.cmpf ogt, %broadcast_in_dim3A_136, %gt3A_138 : vector<1024x1xf32>
    %max3A_140 = arith.constant 1.000000e+00 : f32
    %max3A_141 = vector.broadcast %max3A_140 : f32 to vector<1024x1xf32>
    %max3A_142 = arith.maximumf %broadcast_in_dim3A_136, %max3A_141 : vector<1024x1xf32>
    %rsqrt3A_143 = math.rsqrt %max3A_142 : vector<1024x1xf32>
    %jit3A_144 = arith.constant 0.000000e+00 : f32
    %broadcast_in_dim3A_145 = vector.broadcast %jit3A_144 : f32 to vector<1024x1xf32>
    %select_n3A_146 = arith.select %gt3A_139, %rsqrt3A_143, %broadcast_in_dim3A_145 : vector<1024x1xi1>, vector<1024x1xf32>
    %swap3A = arith.constant 0 : index
    %swap3A_147 = arith.constant 0 : index
    %swap3A_148 = vector.load %arg5[%swap3A, %swap3A_147] : memref<1024x1xf32, #tpu.memory_space<vmem>>, vector<1024x1xf32>
    tpu.vector_store %arg5[%swap3A, %swap3A_147], %select_n3A_62 {strides = array<i32>} : memref<1024x1xf32, #tpu.memory_space<vmem>>, vector<1024x1xf32>,
    %swap3A_149 = arith.constant 0 : index
    %swap3A_150 = arith.constant 0 : index
    %swap3A_151 = vector.load %arg6[%swap3A_149, %swap3A_150] : memref<1024x1xf32, #tpu.memory_space<vmem>>, vector<1024x1xf32>
    tpu.vector_store %arg6[%swap3A_149, %swap3A_150], %select_n3A_146 {strides = array<i32>} : memref<1024x1xf32, #tpu.memory_space<vmem>>, vector<1024x1xf32>,
    %get3A_152 = arith.constant 0 : index
    %get3A_153 = arith.constant 0 : index
    %get3A_154 = vector.load %arg2[%get3A_152, %get3A_153] : memref<1024x128xf32, #tpu.memory_space<vmem>>, vector<1024x128xf32>
    %mul3A_155 = vector.broadcast %select_n3A_62 : vector<1024x1xf32> to vector<1024x128xf32>
    %mul3A_156 = arith.mulf %get3A_154, %mul3A_155 : vector<1024x128xf32>
    %get3A_157 = arith.constant 0 : index
    %get3A_158 = arith.constant 0 : index
    %get3A_159 = vector.load %arg3[%get3A_157, %get3A_158] : memref<128x128xf32, #tpu.memory_space<vmem>>, vector<128x128xf32>
    %dot_general3A_160 = arith.constant dense<0.000000e+00> : vector<1024x128xf32>
    %dot_general3A_161 = tpu.matmul %mul3A_156, %get3A_159, %dot_general3A_160 {dimension_numbers = #tpu.dot_dimension_numbers<[1], [0], [0], [1], [0, 0, 1, 1], [], []>, transpose_lhs_hint = false} : vector<1024x128xf32>, vector<128x128xf32>, vector<1024x128xf32> -> vector<1024x128xf32>
    %swap3A_162 = arith.constant 0 : index
    %swap3A_163 = arith.constant 0 : index
    %swap3A_164 = vector.load %arg4[%swap3A_162, %swap3A_163] : memref<1024x128xf32, #tpu.memory_space<vmem>>, vector<1024x128xf32>
    tpu.vector_store %arg4[%swap3A_162, %swap3A_163], %dot_general3A_161 {strides = array<i32>} : memref<1024x128xf32, #tpu.memory_space<vmem>>, vector<1024x128xf32>,
    return
  }
  func.func @transform_0(%arg0: i32) -> (i32, i32, i32) {
    %c0_i32 = arith.constant 0 : i32
    %c0_i32_0 = arith.constant 0 : i32
    %c0_i32_1 = arith.constant 0 : i32
    return %c0_i32, %arg0, %c0_i32_0 : i32, i32, i32
  }
  func.func @transform_1(%arg0: i32) -> (i32, i32) {
    %c0_i32 = arith.constant 0 : i32
    %c0_i32_0 = arith.constant 0 : i32
    return %arg0, %c0_i32 : i32, i32
  }
  func.func @transform_2(%arg0: i32) -> (i32, i32) {
    %c0_i32 = arith.constant 0 : i32
    %c0_i32_0 = arith.constant 0 : i32
    %c0_i32_1 = arith.constant 0 : i32
    return %c0_i32, %c0_i32_0 : i32, i32
  }
  func.func @transform_3(%arg0: i32) -> (i32, i32) {
    %c0_i32 = arith.constant 0 : i32
    %c0_i32_0 = arith.constant 0 : i32
    return %arg0, %c0_i32 : i32, i32
  }
  func.func @transform_4(%arg0: i32) -> (i32, i32) {
    %c0_i32 = arith.constant 0 : i32
    %c0_i32_0 = arith.constant 0 : i32
    return %arg0, %c0_i32 : i32, i32
  }
  func.func @transform_5(%arg0: i32) -> (i32, i32) {
    %c0_i32 = arith.constant 0 : i32
    %c0_i32_0 = arith.constant 0 : i32
    return %arg0, %c0_i32 : i32, i32
  }
}

module attributes {stable_mosaic.version = 14 : i64} {
  func.func @_d2_body(%arg0: i32, %arg1: memref<2x1024x128xf32, #tpu.memory_space<vmem>>, %arg2: memref<1024x1xf32, #tpu.memory_space<vmem>>, %arg3: memref<1024x1xf32, #tpu.memory_space<vmem>>, %arg4: memref<128x128xf32, #tpu.memory_space<vmem>>, %arg5: memref<1x128xf32, #tpu.memory_space<vmem>>, %arg6: memref<1024x128xf32, #tpu.memory_space<vmem>>) attributes {dimension_semantics = [#tpu.dimension_semantics<arbitrary>], iteration_bounds = array<i64: 10>, scalar_prefetch = 0 : i64, scratch_operands = 0 : i64, tpu.core_type = #tpu.core_type<tc>, window_params = [{transform_indices = @transform_0, window_bounds = array<i64: 2, 1024, 128>}, {transform_indices = @transform_1, window_bounds = array<i64: 1024, 1>}, {transform_indices = @transform_2, window_bounds = array<i64: 1024, 1>}, {pipeline_mode = #tpu.pipeline_mode<synchronous>, transform_indices = @transform_3, window_bounds = array<i64: 128, 128>}, {pipeline_mode = #tpu.pipeline_mode<synchronous>, transform_indices = @transform_4, window_bounds = array<i64: 1, 128>}, {transform_indices = @transform_5, window_bounds = array<i64: 1024, 128>}]} {
    %get3A = arith.constant 0 : index
    %get3A_0 = arith.constant 0 : index
    %get3A_1 = arith.constant 0 : index
    %get3A_2 = vector.load %arg1[%get3A, %get3A_0, %get3A_1] : memref<2x1024x128xf32, #tpu.memory_space<vmem>>, vector<1x1024x128xf32>
    %get3A_3 = vector.shape_cast %get3A_2 : vector<1x1024x128xf32> to vector<1024x128xf32>
    %get3A_4 = arith.constant 1 : index
    %get3A_5 = arith.constant 0 : index
    %get3A_6 = arith.constant 0 : index
    %get3A_7 = vector.load %arg1[%get3A_4, %get3A_5, %get3A_6] : memref<2x1024x128xf32, #tpu.memory_space<vmem>>, vector<1x1024x128xf32>
    %get3A_8 = vector.shape_cast %get3A_7 : vector<1x1024x128xf32> to vector<1024x128xf32>
    %add3A = arith.addf %get3A_3, %get3A_8 : vector<1024x128xf32>
    %get3A_9 = arith.constant 0 : index
    %get3A_10 = arith.constant 0 : index
    %get3A_11 = vector.load %arg2[%get3A_9, %get3A_10] : memref<1024x1xf32, #tpu.memory_space<vmem>>, vector<1024x1xf32>
    %mul3A = vector.broadcast %get3A_11 : vector<1024x1xf32> to vector<1024x128xf32>
    %mul3A_12 = arith.mulf %add3A, %mul3A : vector<1024x128xf32>
    %get3A_13 = arith.constant 0 : index
    %get3A_14 = arith.constant 0 : index
    %get3A_15 = vector.load %arg5[%get3A_13, %get3A_14] : memref<1x128xf32, #tpu.memory_space<vmem>>, vector<1x128xf32>
    %add3A_16 = vector.broadcast %get3A_15 : vector<1x128xf32> to vector<1024x128xf32>
    %add3A_17 = arith.addf %mul3A_12, %add3A_16 : vector<1024x128xf32>
    %max3A = arith.constant 0.000000e+00 : f32
    %max3A_18 = vector.broadcast %max3A : f32 to vector<1024x128xf32>
    %max3A_19 = arith.maximumf %add3A_17, %max3A_18 : vector<1024x128xf32>
    %get3A_20 = arith.constant 0 : index
    %get3A_21 = arith.constant 0 : index
    %get3A_22 = vector.load %arg3[%get3A_20, %get3A_21] : memref<1024x1xf32, #tpu.memory_space<vmem>>, vector<1024x1xf32>
    %mul3A_23 = vector.broadcast %get3A_22 : vector<1024x1xf32> to vector<1024x128xf32>
    %mul3A_24 = arith.mulf %max3A_19, %mul3A_23 : vector<1024x128xf32>
    %get3A_25 = arith.constant 0 : index
    %get3A_26 = arith.constant 0 : index
    %get3A_27 = vector.load %arg4[%get3A_25, %get3A_26] : memref<128x128xf32, #tpu.memory_space<vmem>>, vector<128x128xf32>
    %dot_general3A = arith.constant dense<0.000000e+00> : vector<1024x128xf32>
    %dot_general3A_28 = tpu.matmul %mul3A_24, %get3A_27, %dot_general3A {dimension_numbers = #tpu.dot_dimension_numbers<[1], [0], [0], [1], [0, 0, 1, 1], [], []>, transpose_lhs_hint = false} : vector<1024x128xf32>, vector<128x128xf32>, vector<1024x128xf32> -> vector<1024x128xf32>
    %swap3A = arith.constant 0 : index
    %swap3A_29 = arith.constant 0 : index
    %swap3A_30 = vector.load %arg6[%swap3A, %swap3A_29] : memref<1024x128xf32, #tpu.memory_space<vmem>>, vector<1024x128xf32>
    tpu.vector_store %arg6[%swap3A, %swap3A_29], %dot_general3A_28 {strides = array<i32>} : memref<1024x128xf32, #tpu.memory_space<vmem>>, vector<1024x128xf32>,
    return
  }
  func.func @transform_0(%arg0: i32) -> (i32, i32, i32) {
    %c0_i32 = arith.constant 0 : i32
    %c0_i32_0 = arith.constant 0 : i32
    %c0_i32_1 = arith.constant 0 : i32
    return %c0_i32, %arg0, %c0_i32_0 : i32, i32, i32
  }
  func.func @transform_1(%arg0: i32) -> (i32, i32) {
    %c0_i32 = arith.constant 0 : i32
    %c0_i32_0 = arith.constant 0 : i32
    return %arg0, %c0_i32 : i32, i32
  }
  func.func @transform_2(%arg0: i32) -> (i32, i32) {
    %c0_i32 = arith.constant 0 : i32
    %c0_i32_0 = arith.constant 0 : i32
    return %arg0, %c0_i32 : i32, i32
  }
  func.func @transform_3(%arg0: i32) -> (i32, i32) {
    %c0_i32 = arith.constant 0 : i32
    %c0_i32_0 = arith.constant 0 : i32
    %c0_i32_1 = arith.constant 0 : i32
    return %c0_i32, %c0_i32_0 : i32, i32
  }
  func.func @transform_4(%arg0: i32) -> (i32, i32) {
    %c0_i32 = arith.constant 0 : i32
    %c0_i32_0 = arith.constant 0 : i32
    %c0_i32_1 = arith.constant 0 : i32
    return %c0_i32, %c0_i32_0 : i32, i32
  }
  func.func @transform_5(%arg0: i32) -> (i32, i32) {
    %c0_i32 = arith.constant 0 : i32
    %c0_i32_0 = arith.constant 0 : i32
    return %arg0, %c0_i32 : i32, i32
  }
}

module attributes {stable_mosaic.version = 14 : i64} {
  func.func @_d3_body(%arg0: i32, %arg1: memref<2x1024x128xf32, #tpu.memory_space<vmem>>, %arg2: memref<1024x1xf32, #tpu.memory_space<vmem>>, %arg3: memref<1x128xf32, #tpu.memory_space<vmem>>, %arg4: memref<128x256xf32, #tpu.memory_space<vmem>>, %arg5: memref<1x256xf32, #tpu.memory_space<vmem>>, %arg6: memref<256x64xf32, #tpu.memory_space<vmem>>, %arg7: memref<1x64xf32, #tpu.memory_space<vmem>>, %arg8: memref<1024x64xf32, #tpu.memory_space<vmem>>) attributes {dimension_semantics = [#tpu.dimension_semantics<arbitrary>], iteration_bounds = array<i64: 10>, scalar_prefetch = 0 : i64, scratch_operands = 0 : i64, tpu.core_type = #tpu.core_type<tc>, window_params = [{transform_indices = @transform_0, window_bounds = array<i64: 2, 1024, 128>}, {transform_indices = @transform_1, window_bounds = array<i64: 1024, 1>}, {pipeline_mode = #tpu.pipeline_mode<synchronous>, transform_indices = @transform_2, window_bounds = array<i64: 1, 128>}, {pipeline_mode = #tpu.pipeline_mode<synchronous>, transform_indices = @transform_3, window_bounds = array<i64: 128, 256>}, {pipeline_mode = #tpu.pipeline_mode<synchronous>, transform_indices = @transform_4, window_bounds = array<i64: 1, 256>}, {pipeline_mode = #tpu.pipeline_mode<synchronous>, transform_indices = @transform_5, window_bounds = array<i64: 256, 64>}, {pipeline_mode = #tpu.pipeline_mode<synchronous>, transform_indices = @transform_6, window_bounds = array<i64: 1, 64>}, {transform_indices = @transform_7, window_bounds = array<i64: 1024, 64>}]} {
    %get3A = arith.constant 0 : index
    %get3A_0 = arith.constant 0 : index
    %get3A_1 = arith.constant 0 : index
    %get3A_2 = vector.load %arg1[%get3A, %get3A_0, %get3A_1] : memref<2x1024x128xf32, #tpu.memory_space<vmem>>, vector<1x1024x128xf32>
    %get3A_3 = vector.shape_cast %get3A_2 : vector<1x1024x128xf32> to vector<1024x128xf32>
    %get3A_4 = arith.constant 1 : index
    %get3A_5 = arith.constant 0 : index
    %get3A_6 = arith.constant 0 : index
    %get3A_7 = vector.load %arg1[%get3A_4, %get3A_5, %get3A_6] : memref<2x1024x128xf32, #tpu.memory_space<vmem>>, vector<1x1024x128xf32>
    %get3A_8 = vector.shape_cast %get3A_7 : vector<1x1024x128xf32> to vector<1024x128xf32>
    %add3A = arith.addf %get3A_3, %get3A_8 : vector<1024x128xf32>
    %get3A_9 = arith.constant 0 : index
    %get3A_10 = arith.constant 0 : index
    %get3A_11 = vector.load %arg2[%get3A_9, %get3A_10] : memref<1024x1xf32, #tpu.memory_space<vmem>>, vector<1024x1xf32>
    %mul3A = vector.broadcast %get3A_11 : vector<1024x1xf32> to vector<1024x128xf32>
    %mul3A_12 = arith.mulf %add3A, %mul3A : vector<1024x128xf32>
    %get3A_13 = arith.constant 0 : index
    %get3A_14 = arith.constant 0 : index
    %get3A_15 = vector.load %arg3[%get3A_13, %get3A_14] : memref<1x128xf32, #tpu.memory_space<vmem>>, vector<1x128xf32>
    %add3A_16 = vector.broadcast %get3A_15 : vector<1x128xf32> to vector<1024x128xf32>
    %add3A_17 = arith.addf %mul3A_12, %add3A_16 : vector<1024x128xf32>
    %max3A = arith.constant 0.000000e+00 : f32
    %max3A_18 = vector.broadcast %max3A : f32 to vector<1024x128xf32>
    %max3A_19 = arith.maximumf %add3A_17, %max3A_18 : vector<1024x128xf32>
    %get3A_20 = arith.constant 0 : index
    %get3A_21 = arith.constant 0 : index
    %get3A_22 = vector.load %arg4[%get3A_20, %get3A_21] : memref<128x256xf32, #tpu.memory_space<vmem>>, vector<128x256xf32>
    %dot_general3A = arith.constant dense<0.000000e+00> : vector<1024x256xf32>
    %dot_general3A_23 = tpu.matmul %max3A_19, %get3A_22, %dot_general3A {dimension_numbers = #tpu.dot_dimension_numbers<[1], [0], [0], [1], [0, 0, 1, 1], [], []>, transpose_lhs_hint = false} : vector<1024x128xf32>, vector<128x256xf32>, vector<1024x256xf32> -> vector<1024x256xf32>
    %get3A_24 = arith.constant 0 : index
    %get3A_25 = arith.constant 0 : index
    %get3A_26 = vector.load %arg5[%get3A_24, %get3A_25] : memref<1x256xf32, #tpu.memory_space<vmem>>, vector<1x256xf32>
    %add3A_27 = vector.broadcast %get3A_26 : vector<1x256xf32> to vector<1024x256xf32>
    %add3A_28 = arith.addf %dot_general3A_23, %add3A_27 : vector<1024x256xf32>
    %max3A_29 = arith.constant 0.000000e+00 : f32
    %max3A_30 = vector.broadcast %max3A_29 : f32 to vector<1024x256xf32>
    %max3A_31 = arith.maximumf %add3A_28, %max3A_30 : vector<1024x256xf32>
    %get3A_32 = arith.constant 0 : index
    %get3A_33 = arith.constant 0 : index
    %get3A_34 = vector.load %arg6[%get3A_32, %get3A_33] : memref<256x64xf32, #tpu.memory_space<vmem>>, vector<256x64xf32>
    %dot_general3A_35 = arith.constant dense<0.000000e+00> : vector<1024x64xf32>
    %dot_general3A_36 = tpu.matmul %max3A_31, %get3A_34, %dot_general3A_35 {dimension_numbers = #tpu.dot_dimension_numbers<[1], [0], [0], [1], [0, 0, 1, 1], [], []>, transpose_lhs_hint = false} : vector<1024x256xf32>, vector<256x64xf32>, vector<1024x64xf32> -> vector<1024x64xf32>
    %get3A_37 = arith.constant 0 : index
    %get3A_38 = arith.constant 0 : index
    %get3A_39 = vector.load %arg7[%get3A_37, %get3A_38] : memref<1x64xf32, #tpu.memory_space<vmem>>, vector<1x64xf32>
    %add3A_40 = vector.broadcast %get3A_39 : vector<1x64xf32> to vector<1024x64xf32>
    %add3A_41 = arith.addf %dot_general3A_36, %add3A_40 : vector<1024x64xf32>
    %swap3A = arith.constant 0 : index
    %swap3A_42 = arith.constant 0 : index
    %swap3A_43 = vector.load %arg8[%swap3A, %swap3A_42] : memref<1024x64xf32, #tpu.memory_space<vmem>>, vector<1024x64xf32>
    tpu.vector_store %arg8[%swap3A, %swap3A_42], %add3A_41 {strides = array<i32>} : memref<1024x64xf32, #tpu.memory_space<vmem>>, vector<1024x64xf32>,
    return
  }
  func.func @transform_0(%arg0: i32) -> (i32, i32, i32) {
    %c0_i32 = arith.constant 0 : i32
    %c0_i32_0 = arith.constant 0 : i32
    %c0_i32_1 = arith.constant 0 : i32
    return %c0_i32, %arg0, %c0_i32_0 : i32, i32, i32
  }
  func.func @transform_1(%arg0: i32) -> (i32, i32) {
    %c0_i32 = arith.constant 0 : i32
    %c0_i32_0 = arith.constant 0 : i32
    return %arg0, %c0_i32 : i32, i32
  }
  func.func @transform_2(%arg0: i32) -> (i32, i32) {
    %c0_i32 = arith.constant 0 : i32
    %c0_i32_0 = arith.constant 0 : i32
    %c0_i32_1 = arith.constant 0 : i32
    return %c0_i32, %c0_i32_0 : i32, i32
  }
  func.func @transform_3(%arg0: i32) -> (i32, i32) {
    %c0_i32 = arith.constant 0 : i32
    %c0_i32_0 = arith.constant 0 : i32
    %c0_i32_1 = arith.constant 0 : i32
    return %c0_i32, %c0_i32_0 : i32, i32
  }
  func.func @transform_4(%arg0: i32) -> (i32, i32) {
    %c0_i32 = arith.constant 0 : i32
    %c0_i32_0 = arith.constant 0 : i32
    %c0_i32_1 = arith.constant 0 : i32
    return %c0_i32, %c0_i32_0 : i32, i32
  }
  func.func @transform_5(%arg0: i32) -> (i32, i32) {
    %c0_i32 = arith.constant 0 : i32
    %c0_i32_0 = arith.constant 0 : i32
    %c0_i32_1 = arith.constant 0 : i32
    return %c0_i32, %c0_i32_0 : i32, i32
  }
  func.func @transform_6(%arg0: i32) -> (i32, i32) {
    %c0_i32 = arith.constant 0 : i32
    %c0_i32_0 = arith.constant 0 : i32
    %c0_i32_1 = arith.constant 0 : i32
    return %c0_i32, %c0_i32_0 : i32, i32
  }
  func.func @transform_7(%arg0: i32) -> (i32, i32) {
    %c0_i32 = arith.constant 0 : i32
    %c0_i32_0 = arith.constant 0 : i32
    return %arg0, %c0_i32 : i32, i32
  }
}

</mosaic_0001>

<sc_bundles>
// kernel: kernel.11.cloned.1.call-start
scs
__scs_entry_jumppad:
0x0: {  	(pc) =	sbr.rel $0x88, $3  }
0x1: {  	(tag) =	ssettag $0x0;
	lr =	simm.s32 $0x1  }
0x2: {  	[smem:$0x3F97] =	sst lr;
	_ =	strace $0xD0000000  }
0x3: {  	_ = 	snop  }
0x4: {  	_ = 	snop  }
0x5: {  	_ = 	snop  }
0x6: {  	_ = 	snop  }
0x7: {  	_ = 	snop  }
__scs_overlays_trampoline_lowered:
0x8: {  	[smem:$0x3FA6] =	sst s0  }
0x9: {  	[smem:$0x3FA7] =	sst s1  }
0xa: {  	[smem:$0x3FA8] =	sst s2  }
0xb: {  	[smem:$0x3FA9] =	sst s3  }
0xc: {  	[smem:$0x3FAA] =	sst s4  }
0xd: {  	[smem:$0x3FAB] =	sst s5  }
0xe: {  	[smem:$0x3FAC] =	sst s6  }
0xf: {  	[smem:$0x3FAD] =	sst s7  }
0x10: {  	[smem:$0x3FAE] =	sst s8  }
0x11: {  	[smem:$0x3FAF] =	sst s9;
	s0 =	simm.s32 @!p0 $0x0  }
0x12: {  	s1 =	sld [smem:$0x3F95];
	s0 =	simm.s32 @p0 $0x1  }
0x13: {  	[smem:$0x3FB0] =	sst s0;
	s0 =	simm.s32 @!p1 $0x0  }
0x14: {  	s2 =	sld [smem:$0x3F94];
	s0 =	simm.s32 @p1 $0x1  }
0x15: {  	[smem:$0x3FB1] =	sst s0;
	s0 =	simm.s32 @!p2 $0x0  }
0x16: {  	s3 =	sld [smem:$0x3FDB];
	s0 =	simm.s32 @p2 $0x1  }
0x17: {  	s4 =	simm.s32 $0x1BF5;
	[smem:$0x3FB3] =	sst s0  }
0x18: {  	s0 =	sld [smem:$0x3F96];
	_ =	swait.ge [sflag:s4], $0x0  }
0x19: {  	s7 =	sld [smem:$0x3F97]  }
0x1a: {  	s8 =	sadd.s32 $0xFFFFE003, lr  }
0x1b: {  	s9 =	sadd.s32 $0xFFFFFEF7, lr;
	s5 =	simm.s32 $0xFFFFFFFF;
	p2 =	slt.u32 s8, $0xFFFFF086  }
0x1c: {  	p1 =	slt.u32 s9, $0xF7A;
	s5 =	simm.s32 @!p2 $0x0  }
0x1d: {  	s5 =	simm.s32 @p1 $0x1;
	p0 =	seq.s32 s7, s2  }
0x1e: {  	s7 =	smul.u32 @!p0 $0xF7A, s2;
	p2 =	seq.s32 @!p0 s5, $0x0  }
0x1f: {  	s9 =	smul.u32 $0xF7A, s1;
	s8 =	simm.s32 @!p0 $0x1BF5;
	p2 =	por !p2, p0  }
0x20: {  	[sflag:s8] =	ssyncset.s32 @!p0 $0xFFFFF086;
	s6 =	sadd.s32 @!p0 s3, s7;
	s7 =	simm.s32 @!p0 $0x108  }
0x21: {  	s3 =	sadd.s32 s3, s9;
	s6 =	sadd.s32 @!p0 $0x88, s6;
	s7 =	simm.s32 @p2 $0x1082  }
0x22: {  	[simem:s7], [sflag:s8] =	dma.local @!p0 [hbm:s6], $0xF7A  }
0x23: {  	s9 =	sor.u32 $0xD0000000, s2;
	s6 =	simm.s32 $0x108;
	_ =	swait.ge @!p0 [sflag:s8], $0x0  }
0x24: {  	s3 =	sadd.s32 $0x88, s3;
	s6 =	simm.s32 @!p1 $0x1082;
	[sflag:s4] =	ssyncset.s32 $0xFFFFF086  }
0x25: {  	[simem:s6], [sflag:s4] =	dma.local [hbm:s3], $0xF7A  }
0x26: {  	[smem:$0x3F97] =	sst s1;
	(tag) =	ssettag s2;
	_ =	strace s9  }
0x27: {  	s1 =	sld [smem:$0x3FA7]  }
0x28: {  	s2 =	sld [smem:$0x3FA8]  }
0x29: {  	s4 =	sld [smem:$0x3FAA]  }
0x2a: {  	p0 =	seq.s32 s5, $0x0;
	s5 =	sld [smem:$0x3FAB]  }
0x2b: {  	s6 =	sld [smem:$0x3FAC]  }
0x2c: {  	s7 =	sld [smem:$0x3FAD]  }
0x2d: {  	s3 =	simm.s32 $0x108;
	s8 =	sld [smem:$0x3FAE]  }
0x2e: {  	s3 =	simm.s32 @!p0 $0x1082;
	s9 =	sld [smem:$0x3FAF]  }
0x2f: {  	lr =	sadd.s32 s0, s3;
	s0 =	sld [smem:$0x3FA6]  }
0x30: {  	s3 =	sld [smem:$0x3FA9]  }
0x31: {  	[smem:$0x3FB2] =	sst s10  }
0x32: {  	s10 =	sld [smem:$0x3FB0];
	_ =	sdelay $0x3  }
0x33: {  	p0 =	seq.s32 s10, $0x1;
	s10 =	sld [smem:$0x3FB2];
	_ =	sdelay $0x3  }
0x34: {  	[smem:$0x3FB2] =	sst s10  }
0x35: {  	s10 =	sld [smem:$0x3FB1];
	_ =	sdelay $0x3  }
0x36: {  	p1 =	seq.s32 s10, $0x1;
	s10 =	sld [smem:$0x3FB2];
	_ =	sdelay $0x3  }
0x37: {  	[smem:$0x3FB2] =	sst s10  }
0x38: {  	s10 =	sld [smem:$0x3FB3]  }
0x39: {  	_ = 	snop;
	(pc) =	sbr.ind lr, $3  }
0x3a: {  	_ = 	snop  }
0x3b: {  	_ = 	snop  }
0x3c: {  	p2 =	seq.s32 s10, $0x1;
	s10 =	sld [smem:$0x3FB2]  }
0x3d: {  	_ =	shalt  }
0x3e: {  	_ =	shalt  }
0x3f: {  	_ =	shalt  }
0x40: {  	_ =	shalt  }
0x41: {  	_ =	shalt  }
0x42: {  	_ =	shalt  }
0x43: {  	_ =	shalt  }
0x44: {  	_ =	shalt  }
0x45: {  	_ =	shalt  }
0x46: {  	_ =	shalt  }
0x47: {  	_ =	shalt  }
0x48: {  	_ =	shalt  }
0x49: {  	_ =	shalt  }
0x4a: {  	_ =	shalt  }
0x4b: {  	_ =	shalt  }
0x4c: {  	_ =	shalt  }
0x4d: {  	_ =	shalt  }
0x4e: {  	_ =	shalt  }
0x4f: {  	_ =	shalt  }
0x50: {  	_ =	shalt  }
0x51: {  	_ =	shalt  }
0x52: {  	_ =	shalt  }
0x53: {  	_ =	shalt  }
0x54: {  	_ =	shalt  }
0x55: {  	_ =	shalt  }
0x56: {  	_ =	shalt  }
0x57: {  	_ =	shalt  }
0x58: {  	_ =	shalt  }
0x59: {  	_ =	shalt  }
0x5a: {  	_ =	shalt  }
0x5b: {  	_ =	shalt  }
0x5c: {  	_ =	shalt  }
0x5d: {  	_ =	shalt  }
0x5e: {  	_ =	shalt  }
0x5f: {  	_ =	shalt  }
0x60: {  	_ =	shalt  }
0x61: {  	_ =	shalt  }
0x62: {  	_ =	shalt  }
0x63: {  	_ =	shalt  }
0x64: {  	_ =	shalt  }
0x65: {  	_ =	shalt  }
0x66: {  	_ =	shalt  }
0x67: {  	_ =	shalt  }
0x68: {  	_ =	shalt  }
0x69: {  	_ =	shalt  }
0x6a: {  	_ =	shalt  }
0x6b: {  	_ =	shalt  }
0x6c: {  	_ =	shalt  }
0x6d: {  	_ =	shalt  }
0x6e: {  	_ =	shalt  }
0x6f: {  	_ =	shalt  }
0x70: {  	_ =	shalt  }
0x71: {  	_ =	shalt  }
0x72: {  	_ =	shalt  }
0x73: {  	_ =	shalt  }
0x74: {  	_ =	shalt  }
0x75: {  	_ =	shalt  }
0x76: {  	_ =	shalt  }
0x77: {  	_ =	shalt  }
0x78: {  	_ =	shalt  }
0x79: {  	_ =	shalt  }
0x7a: {  	_ =	shalt  }
0x7b: {  	_ =	shalt  }
0x7c: {  	_ =	shalt  }
0x7d: {  	_ =	shalt  }
0x7e: {  	_ =	shalt  }
0x7f: {  	_ =	shalt  }
0x80: {  	_ =	shalt  }
0x81: {  	_ =	shalt  }
0x82: {  	_ =	shalt  }
0x83: {  	_ =	shalt  }
0x84: {  	_ =	shalt  }
0x85: {  	_ =	shalt  }
0x86: {  	_ =	shalt  }
0x87: {  	_ =	shalt  }
.Lfunc_end0:
.L_simem_size_0:
called_computation.1_lowered:
.L_overlay_start_0:
0x88: {  	s2 =	sld [smem:$0x3FD9]  }
0x89: {  	s3 =	sld [smem:$0x3FFE];
	_ =	sdelay $0x1  }
0x8a: {  	s1 =	srdreg.scid  }
0x8b: {  	s0 =	sand.u32 $0x1, s1  }
0x8c: {  	s17 =	sshll.u32 s0, $0xA;
	s2 =	sadd.s32 s3, s2  }
0x8d: {  	s2 =	sadd.s32 s2, s17  }
0x8e: {  	[smem:$0x3FBE] =	sst s2  }
0x8f: {  	_ = 	snop  }
0x90: {  	s2 =	sld [smem:$0x3FD0];
	(tm) =	ssettm $0x1  }
0x91: {  	s18 =	sld [smem:$0x3FFB];
	_ =	sdelay $0x3  }
0x92: {  	_ =	strace s18  }
0x93: {  	s3 =	sld [smem:$0x3FFC];
	_ =	sdelay $0x3  }
0x94: {  	_ =	strace s3  }
0x95: {  	s3 =	sld [smem:$0x3FFD];
	_ =	sdelay $0x3  }
0x96: {  	_ =	strace s3  }
0x97: {  	_ =	strace $0x8FFFFFFF  }
0x98: {  	s19 =	sld [smem:$0x3FDB];
	_ =	sdelay $0x1  }
0x99: {  	s4 =	simm.s32 $_scs_section_size  }
0x9a: {  	s5 =	simm.s32 $_size__tile_overlayer_lowered;
	s6 =	simm.s32 $_tile_overlayer_lowered  }
0x9b: {  	s22 =	simm.s32 $0x1BFF;
	s21 =	sshll.u32 s6, $0x1;
	s3 =	sadd.s32 s4, s19  }
0x9c: {  	s7 =	simm.s32 $0x0;
	s20 =	sshll.u32 s5, $0x1;
	s5 =	sadd.s32 s21, s3  }
0x9d: {  	[timem:s7], [sflag:s22] =	dma.local [hbm:s5], s20  }
0x9e: {  	_ =	swait.ge [sflag:s22], s20  }
0x9f: {  	s4 =	ssub.s32 $0x0, s20;
	[sflag:s22] =	ssyncset.done $0x0  }
0xa0: {  	[sflag:s22] =	ssyncadd.s32 s4;
	_ =	sdelay $0x1  }
0xa1: {  	s23 =	simm.s32 $0x1B8B  }
0xa2: {  	_ =	swait.ge [sflag:s23], $0x1  }
0xa3: {  	[sflag:s23] =	ssyncset.done $0x0  }
0xa4: {  	s25 =	simm.s32 $0x1B8E;
	s24 =	sld [smem:$0x3FFE];
	[sflag:s23] =	ssyncadd.s32 $0xFFFFFFFF  }
0xa5: {  	s26 =	simm.s32 $execute0_lowered;
	[smem:$0x3FD2] =	sst s25  }
0xa6: {  	s5 =	sshll.u32 s26, $0x1;
	_ =	strace $0x80000049;
	[dreg:$0x1] =	wrdreg $0xFFFFFFFF  }
0xa7: {  	s28 =	simm.s32 $_size_execute0_lowered;
	s3 =	sadd.s32 s3, s5;
	[dreg:$0x0] =	wrdreg $0x0  }
0xa8: {  	s5 =	sshll.u32 s28, $0x1;
	[dreg:$0x2] =	wrdreg s3  }
0xa9: {  	[dreg:$0x3] =	wrdreg s5  }
0xaa: {  	[dreg:$0x4] =	wrdreg $0xC0  }
0xab: {  	_ =	task [dreg:s7], $0x5FFFF  }
0xac: {  	[dreg:$0x1] =	wrdreg $0xFFFFFFFF  }
0xad: {  	[dreg:$0x0] =	wrdreg $0x60  }
0xae: {  	[dreg:$0x2] =	wrdreg s24  }
0xaf: {  	[dreg:$0x3] =	wrdreg s2  }
0xb0: {  	[dreg:$0x4] =	wrdreg $0xA8000  }
0xb1: {  	[dreg:$0x5] =	wrdreg $0x9  }
0xb2: {  	_ =	task.clear_ibuf [dreg:s7], $0x6FFFF;
	_ =	strace $0x90000049  }
0xb3: {  	s29 =	simm.s32 $0x9;
	_ =	strace $0x8000004B  }
0xb4: {  	_ =	swait.ge [sflag:s29], $0x1  }
0xb5: {  	[sflag:s29] =	ssyncadd.s32 $0xFFFFFFFF  }
0xb6: {  	_ =	strace $0x9000004B  }
0xb7: {  	_ =	sfence  }
0xb8: {  	s30 =	sld [smem:$0x0];
	_ =	sdelay $0x2  }
0xb9: {  	s31 =	sshll.u32 s1, $0xD;
	s1 =	sshrl.u32 s1, $0x2  }
0xba: {  	s3 =	sand.u32 $0x4000, s31;
	s1 =	sadd.s32 s1, s30  }
0xbb: {  	s0 =	sor.u32 s3, s0;
	s1 =	sshll.u32 s1, $0x11  }
0xbc: {  	s0 =	sor.u32 s1, s0  }
0xbd: {  	s0 =	sadd.s32 $0x8F2B, s0  }
0xbe: {  	[sflag:s0] =	ssyncadd.remote.s32 $0x1  }
0xbf: {  	_ =	sfence.sel $0xFFFF  }
0xc0: {  	[dreg:$0x0] =	wrdreg $0xFFFFFFFF;
	(pc) =	sbr.abs _section_cstart, $3  }
0xc1: {  	[dreg:$0x1] =	wrdreg $0xFFFFFFFF  }
0xc2: {  	_ =	task.clear_ibuf [dreg:s7], $0x2FFFF;
	_ =	strace $0x9FFFFFFF  }
0xc3: {  	(tm) =	ssettm $0x7FFFFFFF  }
tec
execute0_lowered:
.L_overlay_start_1:
0x0: {  	(tag) =	ssettag $0x1  }
0x1: {  	s5 =	rddreg [dreg:$0x0]  }
0x2: {  	s7 =	rddreg [dreg:$0x1]  }
0x3: {  	s1 =	rddreg [dreg:$0x2]  }
0x4: {  	s0 =	rddreg [dreg:$0x3];
	s3 =	simm.s32 $0x0;
	s4 =	srdreg.scid  }
0x5: {  	s2 =	stileid.u32;
	s15 =	simm.s32 $0x8000;
	s16 =	simm.s32 $0x1  }
0x6: {  	s17 =	simm.s32 $0x0;
	[smem:$0x7FF] =	sst s3;
	s6 =	sand.u32 $0x1, s4  }
0x7: {  	s28 =	sshll.u32 s2, $0xC;
	s9 =	smul.u32 $0x14000, s2;
	s4 =	sadd.s32 $0x12000, s5  }
0x8: {  	s29 =	smul.u32 $0x50000, s2;
	s31 =	sshll.u32 s2, $0x6;
	s8 =	sshll.u32 s6, $0xB  }
0x9: {  	_ =	strace $0x8000004A;
	s10 =	smul.u32 $0x140000, s6;
	s6 =	ssub.s32 $0x2, s6  }
0xa: {  	s8 =	sor.u32 s8, s28;
	s12 =	sshrl.u32 s9, $0x3;
	s13 =	sshrl.u32 s6, $0x1  }
0xb: {  	s30 =	sshrl.u32 s29, $0x2;
	s11 =	sadd.s32 s8, s5;
	s9 =	sadd.s32 s9, s10  }
0xc: {  	s12 =	sadd.s32 s12, s5;
	s13 =	ssub.s32 s6, s13;
	s14 =	sadd.s32 s30, s1  }
0xd: {  	s6 =	sor.u32 $0x1C02, s31;
	s7 =	sadd.s32 s7, s8;
	s9 =	sshrl.u32 s9, $0x3  }
0xe: {  	s8 =	sadd.s32 $0x2000, s11;
	s10 =	smax.u32 s13, $0x1;
	s11 =	sshrl.u32 s14, $0x3  }
0xf: {  	s13 =	simm.s32 $0x4000;
	s14 =	simm.s32 $0x50;
	s9 =	sadd.s32 s9, s5  }
0x10: {  	s5 =	sadd.s32 $0x3A000, s12;
	s12 =	simm.s32 $0x2;
	s9 =	sadd.s32 $0x62000, s9  }
.LBB2_1:
0x11: {  	[spmem:s11], [sflag:s6] =	dma.local [hbm:s5], $0x2800  }
0x12: {  	_ =	swait.ge [sflag:s12], $0x2800  }
0x13: {  	[sflag:s12] =	ssyncset.done $0x0  }
0x14: {  	[sflag:s12] =	ssyncadd.s32 $0xFFFFD800  }
0x15: {  	[tilespmem:s3], [sflag:$0x2] =	stream.linear.gather [hbm4b:s7+s3], $0x3E80, $0x38;
	[tilespmem:$0x1E800] =	vst v63  }
0x16: {  	_ =	swait.ge [sflag:s12], $0x3E80  }
0x17: {  	[sflag:s12] =	ssyncset.done $0x0  }
0x18: {  	[sflag:s12] =	ssyncadd.s32 $0xFFFFC180  }
0x19: {  	[tilespmem:s13], [sflag:$0x2] =	stream.linear.gather [hbm4b:s8+s3], $0x3E80, $0x38;
	[tilespmem:$0x1E800] =	vst v63  }
0x1a: {  	_ =	swait.ge [sflag:s12], $0x3E80  }
0x1b: {  	[sflag:s12] =	ssyncset.done $0x0  }
0x1c: {  	[sflag:s12] =	ssyncadd.s32 $0xFFFFC180  }
0x1d: {  	s18 =	simm.s32 $0x0;
	[bflag:$0x0] =	sbarrier.arrive $0xFFFF  }
0x1e: {  	[tilespmem:s15], [sflag:$0x1] =	stream.indirect.gather [hbm4b:s4+s14], $0x80, s18, s14, $0xb8;
	[tilespmem:$0x1E800] =	vst v63  }
0x1f: {  	_ =	swait.ge [sflag:s16], $0x2800  }
0x20: {  	[sflag:s16] =	ssyncset.done $0x0  }
0x21: {  	s31 =	simm.s32 $0x4000;
	[sflag:s16] =	ssyncadd.s32 $0xFFFFD800  }
0x22: {  	[spmem:s1] =	stream.indirect.scatter.add.f32 [tilespmem:s15], [sflag:$0x2], $0x80, s31, s14, $0xb8;
	[tilespmem:$0x1E800] =	vst v63  }
0x23: {  	_ =	swait.ge [sflag:s12], $0x2800  }
0x24: {  	s19 =	simm.s32 $0x400;
	s18 =	simm.s32 $0x200;
	[sflag:s12] =	ssyncset.done $0x0  }
.LBB2_2:
0x25: {  	s20 =	sshra.s32 s18, $0x2  }
0x26: {  	[sflag:s12] =	ssyncadd.s32 $0xFFFFD800;
	s18 =	smov.u32 s19;
	s21 =	sadd.s32 $0x200, s19  }
0x27: {  	[tilespmem:s15], [sflag:$0x1] =	stream.indirect.gather [hbm4b:s4+s14], $0x80, s20, s14, $0xb8;
	[tilespmem:$0x1E800] =	vst v63  }
0x28: {  	p0 =	sne.s32 s19, $0xF800;
	_ =	swait.ge [sflag:s16], $0x2800  }
.Ltmp0:
0x29: {  	[sflag:s16] =	ssyncset.done $0x0;
	(pc) =	sbr.rel @p0 .LBB2_2-.Ltmp0, $4  }
0x2a: {  	s19 =	sadd.s32 $0x4000, s20;
	[sflag:s16] =	ssyncadd.s32 $0xFFFFD800  }
0x2b: {  	[spmem:s1] =	stream.indirect.scatter.add.f32 [tilespmem:s15], [sflag:$0x2], $0x80, s19, s14, $0xb8;
	[tilespmem:$0x1E800] =	vst v63  }
0x2c: {  	_ =	swait.ge [sflag:s12], $0x2800  }
0x2d: {  	s19 =	smov.u32 s21;
	[sflag:s12] =	ssyncset.done $0x0  }
0x2e: {  	s18 =	sshra.s32 s18, $0x2;
	[sflag:s12] =	ssyncadd.s32 $0xFFFFD800  }
0x2f: {  	[tilespmem:s15], [sflag:$0x1] =	stream.indirect.gather [hbm4b:s4+s14], $0x80, s18, s14, $0xb8;
	[tilespmem:$0x1E800] =	vst v63  }
0x30: {  	_ =	swait.ge [sflag:s16], $0x2800  }
0x31: {  	[sflag:s16] =	ssyncset.done $0x0  }
0x32: {  	s18 =	sadd.s32 $0x4000, s18;
	[sflag:s16] =	ssyncadd.s32 $0xFFFFD800  }
0x33: {  	[spmem:s1] =	stream.indirect.scatter.add.f32 [tilespmem:s15], [sflag:$0x2], $0x80, s18, s14, $0xb8;
	[tilespmem:$0x1E800] =	vst v63  }
0x34: {  	_ =	swait.ge [sflag:s12], $0x2800  }
0x35: {  	s17 =	sadd.s32 $0x1, s17;
	[sflag:s12] =	ssyncset.done $0x0  }
0x36: {  	p0 =	sne.s32 s17, s10;
	[sflag:s12] =	ssyncadd.s32 $0xFFFFD800  }
.Ltmp1:
0x37: {  	[bflag:$0x0] =	sbarrier.arrive $0xFFFF;
	(pc) =	sbr.rel @p0 .LBB2_1-.Ltmp1, $4  }
0x38: {  	[hbm:s9], [sflag:s6] =	dma.local [spmem:s11], $0x2800  }
0x39: {  	_ =	swait.ge [sflag:s12], $0x2800  }
0x3a: {  	[sflag:s12] =	ssyncset.done $0x0  }
0x3b: {  	[sflag:s12] =	ssyncadd.s32 $0xFFFFD800  }
0x3c: {  	_ =	sfence.sel $0x180000  }
0x3d: {  	[bflag:$0x0] =	sbarrier.arrive $0xFFFF  }
0x3e: {  	p0 =	sne.s32 s2, $0x0;
	_ =	strace $0x9000004A  }
0x3f: {  	s0 =	sadd.s32 @!p0 $0x100000, s0;
	[bflag:$0x2] =	sbarrier.arrive $0xFFFF  }
0x40: {  	[sflag:s0] =	ssyncadd.tile.s32 @!p0 $0x1;
	_ =	shalt  }
.Lfunc_end2:
_tile_overlayer_lowered:
.L_overlay_start_2:
0x41: {  	(tag) =	ssettag $0x2  }
0x42: {  	s0 =	rddreg [dreg:$0x0];
	s2 =	stileid.u32  }
0x43: {  	s1 =	rddreg [dreg:$0x1];
	p0 =	sne.s32 s2, $0x0  }
0x44: {  	s3 =	rddreg [dreg:$0x2];
	[bflag:$0x3] =	sbarrier.arrive $0xFFFF;
	s2 =	simm.s32 @!p0 $0x1C02  }
0x45: {  	[timem:s3], [sflag:s2] =	dma.local @!p0 [hbm:s0], s1  }
0x46: {  	s0 =	simm.s32 @!p0 $0x2  }
0x47: {  	_ =	swait.ge @!p0 [sflag:s0], s1  }
0x48: {  	s1 =	ssub.s32 @!p0 $0x0, s1;
	[sflag:s0] =	ssyncset.done @!p0 $0x0  }
0x49: {  	[sflag:s0] =	ssyncadd.s32 @!p0 s1  }
0x4a: {  	[bflag:$0x3] =	sbarrier.arrive $0xFFFF  }
0x4b: {  	_ =	shalt  }

// kernel: kernel.8.cloned.1.call-start
scs
__scs_entry_jumppad:
0x0: {  	(pc) =	sbr.rel $0x88, $3  }
0x1: {  	(tag) =	ssettag $0x0;
	lr =	simm.s32 $0x1  }
0x2: {  	[smem:$0x3F97] =	sst lr;
	_ =	strace $0xD0000000  }
0x3: {  	_ = 	snop  }
0x4: {  	_ = 	snop  }
0x5: {  	_ = 	snop  }
0x6: {  	_ = 	snop  }
0x7: {  	_ = 	snop  }
__scs_overlays_trampoline_lowered:
0x8: {  	[smem:$0x3FA6] =	sst s0  }
0x9: {  	[smem:$0x3FA7] =	sst s1  }
0xa: {  	[smem:$0x3FA8] =	sst s2  }
0xb: {  	[smem:$0x3FA9] =	sst s3  }
0xc: {  	[smem:$0x3FAA] =	sst s4  }
0xd: {  	[smem:$0x3FAB] =	sst s5  }
0xe: {  	[smem:$0x3FAC] =	sst s6  }
0xf: {  	[smem:$0x3FAD] =	sst s7  }
0x10: {  	[smem:$0x3FAE] =	sst s8  }
0x11: {  	[smem:$0x3FAF] =	sst s9;
	s0 =	simm.s32 @!p0 $0x0  }
0x12: {  	s1 =	sld [smem:$0x3F95];
	s0 =	simm.s32 @p0 $0x1  }
0x13: {  	[smem:$0x3FB0] =	sst s0;
	s0 =	simm.s32 @!p1 $0x0  }
0x14: {  	s2 =	sld [smem:$0x3F94];
	s0 =	simm.s32 @p1 $0x1  }
0x15: {  	[smem:$0x3FB1] =	sst s0;
	s0 =	simm.s32 @!p2 $0x0  }
0x16: {  	s3 =	sld [smem:$0x3FDB];
	s0 =	simm.s32 @p2 $0x1  }
0x17: {  	s4 =	simm.s32 $0x1BF5;
	[smem:$0x3FB3] =	sst s0  }
0x18: {  	s0 =	sld [smem:$0x3F96];
	_ =	swait.ge [sflag:s4], $0x0  }
0x19: {  	s7 =	sld [smem:$0x3F97]  }
0x1a: {  	s8 =	sadd.s32 $0xFFFFE003, lr  }
0x1b: {  	s9 =	sadd.s32 $0xFFFFFEF7, lr;
	s5 =	simm.s32 $0xFFFFFFFF;
	p2 =	slt.u32 s8, $0xFFFFF086  }
0x1c: {  	p1 =	slt.u32 s9, $0xF7A;
	s5 =	simm.s32 @!p2 $0x0  }
0x1d: {  	s5 =	simm.s32 @p1 $0x1;
	p0 =	seq.s32 s7, s2  }
0x1e: {  	s7 =	smul.u32 @!p0 $0xF7A, s2;
	p2 =	seq.s32 @!p0 s5, $0x0  }
0x1f: {  	s9 =	smul.u32 $0xF7A, s1;
	s8 =	simm.s32 @!p0 $0x1BF5;
	p2 =	por !p2, p0  }
0x20: {  	[sflag:s8] =	ssyncset.s32 @!p0 $0xFFFFF086;
	s6 =	sadd.s32 @!p0 s3, s7;
	s7 =	simm.s32 @!p0 $0x108  }
0x21: {  	s3 =	sadd.s32 s3, s9;
	s6 =	sadd.s32 @!p0 $0x88, s6;
	s7 =	simm.s32 @p2 $0x1082  }
0x22: {  	[simem:s7], [sflag:s8] =	dma.local @!p0 [hbm:s6], $0xF7A  }
0x23: {  	s9 =	sor.u32 $0xD0000000, s2;
	s6 =	simm.s32 $0x108;
	_ =	swait.ge @!p0 [sflag:s8], $0x0  }
0x24: {  	s3 =	sadd.s32 $0x88, s3;
	s6 =	simm.s32 @!p1 $0x1082;
	[sflag:s4] =	ssyncset.s32 $0xFFFFF086  }
0x25: {  	[simem:s6], [sflag:s4] =	dma.local [hbm:s3], $0xF7A  }
0x26: {  	[smem:$0x3F97] =	sst s1;
	(tag) =	ssettag s2;
	_ =	strace s9  }
0x27: {  	s1 =	sld [smem:$0x3FA7]  }
0x28: {  	s2 =	sld [smem:$0x3FA8]  }
0x29: {  	s4 =	sld [smem:$0x3FAA]  }
0x2a: {  	p0 =	seq.s32 s5, $0x0;
	s5 =	sld [smem:$0x3FAB]  }
0x2b: {  	s6 =	sld [smem:$0x3FAC]  }
0x2c: {  	s7 =	sld [smem:$0x3FAD]  }
0x2d: {  	s3 =	simm.s32 $0x108;
	s8 =	sld [smem:$0x3FAE]  }
0x2e: {  	s3 =	simm.s32 @!p0 $0x1082;
	s9 =	sld [smem:$0x3FAF]  }
0x2f: {  	lr =	sadd.s32 s0, s3;
	s0 =	sld [smem:$0x3FA6]  }
0x30: {  	s3 =	sld [smem:$0x3FA9]  }
0x31: {  	[smem:$0x3FB2] =	sst s10  }
0x32: {  	s10 =	sld [smem:$0x3FB0];
	_ =	sdelay $0x3  }
0x33: {  	p0 =	seq.s32 s10, $0x1;
	s10 =	sld [smem:$0x3FB2];
	_ =	sdelay $0x3  }
0x34: {  	[smem:$0x3FB2] =	sst s10  }
0x35: {  	s10 =	sld [smem:$0x3FB1];
	_ =	sdelay $0x3  }
0x36: {  	p1 =	seq.s32 s10, $0x1;
	s10 =	sld [smem:$0x3FB2];
	_ =	sdelay $0x3  }
0x37: {  	[smem:$0x3FB2] =	sst s10  }
0x38: {  	s10 =	sld [smem:$0x3FB3]  }
0x39: {  	_ = 	snop;
	(pc) =	sbr.ind lr, $3  }
0x3a: {  	_ = 	snop  }
0x3b: {  	_ = 	snop  }
0x3c: {  	p2 =	seq.s32 s10, $0x1;
	s10 =	sld [smem:$0x3FB2]  }
0x3d: {  	_ =	shalt  }
0x3e: {  	_ =	shalt  }
0x3f: {  	_ =	shalt  }
0x40: {  	_ =	shalt  }
0x41: {  	_ =	shalt  }
0x42: {  	_ =	shalt  }
0x43: {  	_ =	shalt  }
0x44: {  	_ =	shalt  }
0x45: {  	_ =	shalt  }
0x46: {  	_ =	shalt  }
0x47: {  	_ =	shalt  }
0x48: {  	_ =	shalt  }
0x49: {  	_ =	shalt  }
0x4a: {  	_ =	shalt  }
0x4b: {  	_ =	shalt  }
0x4c: {  	_ =	shalt  }
0x4d: {  	_ =	shalt  }
0x4e: {  	_ =	shalt  }
0x4f: {  	_ =	shalt  }
0x50: {  	_ =	shalt  }
0x51: {  	_ =	shalt  }
0x52: {  	_ =	shalt  }
0x53: {  	_ =	shalt  }
0x54: {  	_ =	shalt  }
0x55: {  	_ =	shalt  }
0x56: {  	_ =	shalt  }
0x57: {  	_ =	shalt  }
0x58: {  	_ =	shalt  }
0x59: {  	_ =	shalt  }
0x5a: {  	_ =	shalt  }
0x5b: {  	_ =	shalt  }
0x5c: {  	_ =	shalt  }
0x5d: {  	_ =	shalt  }
0x5e: {  	_ =	shalt  }
0x5f: {  	_ =	shalt  }
0x60: {  	_ =	shalt  }
0x61: {  	_ =	shalt  }
0x62: {  	_ =	shalt  }
0x63: {  	_ =	shalt  }
0x64: {  	_ =	shalt  }
0x65: {  	_ =	shalt  }
0x66: {  	_ =	shalt  }
0x67: {  	_ =	shalt  }
0x68: {  	_ =	shalt  }
0x69: {  	_ =	shalt  }
0x6a: {  	_ =	shalt  }
0x6b: {  	_ =	shalt  }
0x6c: {  	_ =	shalt  }
0x6d: {  	_ =	shalt  }
0x6e: {  	_ =	shalt  }
0x6f: {  	_ =	shalt  }
0x70: {  	_ =	shalt  }
0x71: {  	_ =	shalt  }
0x72: {  	_ =	shalt  }
0x73: {  	_ =	shalt  }
0x74: {  	_ =	shalt  }
0x75: {  	_ =	shalt  }
0x76: {  	_ =	shalt  }
0x77: {  	_ =	shalt  }
0x78: {  	_ =	shalt  }
0x79: {  	_ =	shalt  }
0x7a: {  	_ =	shalt  }
0x7b: {  	_ =	shalt  }
0x7c: {  	_ =	shalt  }
0x7d: {  	_ =	shalt  }
0x7e: {  	_ =	shalt  }
0x7f: {  	_ =	shalt  }
0x80: {  	_ =	shalt  }
0x81: {  	_ =	shalt  }
0x82: {  	_ =	shalt  }
0x83: {  	_ =	shalt  }
0x84: {  	_ =	shalt  }
0x85: {  	_ =	shalt  }
0x86: {  	_ =	shalt  }
0x87: {  	_ =	shalt  }
.Lfunc_end0:
.L_simem_size_0:
called_computation_lowered:
.L_overlay_start_0:
0x88: {  	s2 =	sld [smem:$0x3FD9]  }
0x89: {  	s3 =	sld [smem:$0x3FFE];
	_ =	sdelay $0x1  }
0x8a: {  	s1 =	srdreg.scid  }
0x8b: {  	s0 =	sand.u32 $0x1, s1  }
0x8c: {  	s17 =	sshll.u32 s0, $0xA;
	s2 =	sadd.s32 s3, s2  }
0x8d: {  	s2 =	sadd.s32 s2, s17  }
0x8e: {  	[smem:$0x3FBE] =	sst s2  }
0x8f: {  	_ = 	snop  }
0x90: {  	s2 =	sld [smem:$0x3FD0];
	(tm) =	ssettm $0x1  }
0x91: {  	s18 =	sld [smem:$0x3FFB];
	_ =	sdelay $0x3  }
0x92: {  	_ =	strace s18  }
0x93: {  	s3 =	sld [smem:$0x3FFC];
	_ =	sdelay $0x3  }
0x94: {  	_ =	strace s3  }
0x95: {  	s3 =	sld [smem:$0x3FFD];
	_ =	sdelay $0x3  }
0x96: {  	_ =	strace s3  }
0x97: {  	_ =	strace $0x8FFFFFFF  }
0x98: {  	s19 =	sld [smem:$0x3FDB];
	_ =	sdelay $0x1  }
0x99: {  	s4 =	simm.s32 $_scs_section_size  }
0x9a: {  	s5 =	simm.s32 $_size__tile_overlayer_lowered;
	s6 =	simm.s32 $_tile_overlayer_lowered  }
0x9b: {  	s22 =	simm.s32 $0x1BFF;
	s21 =	sshll.u32 s6, $0x1;
	s3 =	sadd.s32 s4, s19  }
0x9c: {  	s7 =	simm.s32 $0x0;
	s20 =	sshll.u32 s5, $0x1;
	s5 =	sadd.s32 s21, s3  }
0x9d: {  	[timem:s7], [sflag:s22] =	dma.local [hbm:s5], s20  }
0x9e: {  	_ =	swait.ge [sflag:s22], s20  }
0x9f: {  	s4 =	ssub.s32 $0x0, s20;
	[sflag:s22] =	ssyncset.done $0x0  }
0xa0: {  	[sflag:s22] =	ssyncadd.s32 s4;
	_ =	sdelay $0x1  }
0xa1: {  	s23 =	simm.s32 $0x1B8B  }
0xa2: {  	_ =	swait.ge [sflag:s23], $0x1  }
0xa3: {  	[sflag:s23] =	ssyncset.done $0x0  }
0xa4: {  	s25 =	simm.s32 $0x1B8E;
	s24 =	sld [smem:$0x3FFE];
	[sflag:s23] =	ssyncadd.s32 $0xFFFFFFFF  }
0xa5: {  	s26 =	simm.s32 $execute0_lowered;
	[smem:$0x3FD2] =	sst s25  }
0xa6: {  	s5 =	sshll.u32 s26, $0x1;
	_ =	strace $0x80000046;
	[dreg:$0x1] =	wrdreg $0xFFFFFFFF  }
0xa7: {  	s28 =	simm.s32 $_size_execute0_lowered;
	s3 =	sadd.s32 s3, s5;
	[dreg:$0x0] =	wrdreg $0x0  }
0xa8: {  	s5 =	sshll.u32 s28, $0x1;
	[dreg:$0x2] =	wrdreg s3  }
0xa9: {  	[dreg:$0x3] =	wrdreg s5  }
0xaa: {  	[dreg:$0x4] =	wrdreg $0xC0  }
0xab: {  	_ =	task [dreg:s7], $0x5FFFF  }
0xac: {  	[dreg:$0x1] =	wrdreg $0xFFFFFFFF  }
0xad: {  	[dreg:$0x0] =	wrdreg $0x60  }
0xae: {  	[dreg:$0x2] =	wrdreg s24  }
0xaf: {  	[dreg:$0x3] =	wrdreg s2  }
0xb0: {  	[dreg:$0x4] =	wrdreg $0xA8000  }
0xb1: {  	[dreg:$0x5] =	wrdreg $0x9  }
0xb2: {  	_ =	task.clear_ibuf [dreg:s7], $0x6FFFF;
	_ =	strace $0x90000046  }
0xb3: {  	s29 =	simm.s32 $0x9;
	_ =	strace $0x80000048  }
0xb4: {  	_ =	swait.ge [sflag:s29], $0x1  }
0xb5: {  	[sflag:s29] =	ssyncadd.s32 $0xFFFFFFFF  }
0xb6: {  	_ =	strace $0x90000048  }
0xb7: {  	_ =	sfence  }
0xb8: {  	s30 =	sld [smem:$0x0];
	_ =	sdelay $0x2  }
0xb9: {  	s31 =	sshll.u32 s1, $0xD;
	s1 =	sshrl.u32 s1, $0x2  }
0xba: {  	s3 =	sand.u32 $0x4000, s31;
	s1 =	sadd.s32 s1, s30  }
0xbb: {  	s0 =	sor.u32 s3, s0;
	s1 =	sshll.u32 s1, $0x11  }
0xbc: {  	s0 =	sor.u32 s1, s0  }
0xbd: {  	s0 =	sadd.s32 $0x8F2B, s0  }
0xbe: {  	[sflag:s0] =	ssyncadd.remote.s32 $0x1  }
0xbf: {  	_ =	sfence.sel $0xFFFF  }
0xc0: {  	[dreg:$0x0] =	wrdreg $0xFFFFFFFF;
	(pc) =	sbr.abs _section_cstart, $3  }
0xc1: {  	[dreg:$0x1] =	wrdreg $0xFFFFFFFF  }
0xc2: {  	_ =	task.clear_ibuf [dreg:s7], $0x2FFFF;
	_ =	strace $0x9FFFFFFF  }
0xc3: {  	(tm) =	ssettm $0x7FFFFFFF  }
tec
execute0_lowered:
.L_overlay_start_1:
0x0: {  	(tag) =	ssettag $0x1  }
0x1: {  	s5 =	rddreg [dreg:$0x0]  }
0x2: {  	s7 =	rddreg [dreg:$0x1]  }
0x3: {  	s1 =	rddreg [dreg:$0x2]  }
0x4: {  	s0 =	rddreg [dreg:$0x3];
	s3 =	simm.s32 $0x0;
	s4 =	srdreg.scid  }
0x5: {  	s2 =	stileid.u32;
	s15 =	simm.s32 $0x8000;
	s16 =	simm.s32 $0x1  }
0x6: {  	s17 =	simm.s32 $0x0;
	[smem:$0x7FF] =	sst s3;
	s6 =	sand.u32 $0x1, s4  }
0x7: {  	s28 =	sshll.u32 s2, $0xC;
	s9 =	smul.u32 $0x14000, s2;
	s4 =	sadd.s32 $0x12000, s5  }
0x8: {  	s29 =	smul.u32 $0x50000, s2;
	s31 =	sshll.u32 s2, $0x6;
	s8 =	sshll.u32 s6, $0xB  }
0x9: {  	_ =	strace $0x80000047;
	s10 =	smul.u32 $0x140000, s6;
	s6 =	ssub.s32 $0x2, s6  }
0xa: {  	s8 =	sor.u32 s8, s28;
	s12 =	sshrl.u32 s9, $0x3;
	s13 =	sshrl.u32 s6, $0x1  }
0xb: {  	s30 =	sshrl.u32 s29, $0x2;
	s11 =	sadd.s32 s8, s5;
	s9 =	sadd.s32 s9, s10  }
0xc: {  	s12 =	sadd.s32 s12, s5;
	s13 =	ssub.s32 s6, s13;
	s14 =	sadd.s32 s30, s1  }
0xd: {  	s6 =	sor.u32 $0x1C02, s31;
	s7 =	sadd.s32 s7, s8;
	s9 =	sshrl.u32 s9, $0x3  }
0xe: {  	s8 =	sadd.s32 $0x2000, s11;
	s10 =	smax.u32 s13, $0x1;
	s11 =	sshrl.u32 s14, $0x3  }
0xf: {  	s13 =	simm.s32 $0x4000;
	s14 =	simm.s32 $0x50;
	s9 =	sadd.s32 s9, s5  }
0x10: {  	s5 =	sadd.s32 $0x3A000, s12;
	s12 =	simm.s32 $0x2;
	s9 =	sadd.s32 $0x62000, s9  }
.LBB2_1:
0x11: {  	[spmem:s11], [sflag:s6] =	dma.local [hbm:s5], $0x2800  }
0x12: {  	_ =	swait.ge [sflag:s12], $0x2800  }
0x13: {  	[sflag:s12] =	ssyncset.done $0x0  }
0x14: {  	[sflag:s12] =	ssyncadd.s32 $0xFFFFD800  }
0x15: {  	[tilespmem:s3], [sflag:$0x2] =	stream.linear.gather [hbm4b:s7+s3], $0x3E80, $0x38;
	[tilespmem:$0x1E800] =	vst v63  }
0x16: {  	_ =	swait.ge [sflag:s12], $0x3E80  }
0x17: {  	[sflag:s12] =	ssyncset.done $0x0  }
0x18: {  	[sflag:s12] =	ssyncadd.s32 $0xFFFFC180  }
0x19: {  	[tilespmem:s13], [sflag:$0x2] =	stream.linear.gather [hbm4b:s8+s3], $0x3E80, $0x38;
	[tilespmem:$0x1E800] =	vst v63  }
0x1a: {  	_ =	swait.ge [sflag:s12], $0x3E80  }
0x1b: {  	[sflag:s12] =	ssyncset.done $0x0  }
0x1c: {  	[sflag:s12] =	ssyncadd.s32 $0xFFFFC180  }
0x1d: {  	s18 =	simm.s32 $0x0;
	[bflag:$0x0] =	sbarrier.arrive $0xFFFF  }
0x1e: {  	[tilespmem:s15], [sflag:$0x1] =	stream.indirect.gather [hbm4b:s4+s14], $0x80, s18, s14, $0xb8;
	[tilespmem:$0x1E800] =	vst v63  }
0x1f: {  	_ =	swait.ge [sflag:s16], $0x2800  }
0x20: {  	[sflag:s16] =	ssyncset.done $0x0  }
0x21: {  	s31 =	simm.s32 $0x4000;
	[sflag:s16] =	ssyncadd.s32 $0xFFFFD800  }
0x22: {  	[spmem:s1] =	stream.indirect.scatter.add.f32 [tilespmem:s15], [sflag:$0x2], $0x80, s31, s14, $0xb8;
	[tilespmem:$0x1E800] =	vst v63  }
0x23: {  	_ =	swait.ge [sflag:s12], $0x2800  }
0x24: {  	s19 =	simm.s32 $0x400;
	s18 =	simm.s32 $0x200;
	[sflag:s12] =	ssyncset.done $0x0  }
.LBB2_2:
0x25: {  	s20 =	sshra.s32 s18, $0x2  }
0x26: {  	[sflag:s12] =	ssyncadd.s32 $0xFFFFD800;
	s18 =	smov.u32 s19;
	s21 =	sadd.s32 $0x200, s19  }
0x27: {  	[tilespmem:s15], [sflag:$0x1] =	stream.indirect.gather [hbm4b:s4+s14], $0x80, s20, s14, $0xb8;
	[tilespmem:$0x1E800] =	vst v63  }
0x28: {  	p0 =	sne.s32 s19, $0xF800;
	_ =	swait.ge [sflag:s16], $0x2800  }
.Ltmp0:
0x29: {  	[sflag:s16] =	ssyncset.done $0x0;
	(pc) =	sbr.rel @p0 .LBB2_2-.Ltmp0, $4  }
0x2a: {  	s19 =	sadd.s32 $0x4000, s20;
	[sflag:s16] =	ssyncadd.s32 $0xFFFFD800  }
0x2b: {  	[spmem:s1] =	stream.indirect.scatter.add.f32 [tilespmem:s15], [sflag:$0x2], $0x80, s19, s14, $0xb8;
	[tilespmem:$0x1E800] =	vst v63  }
0x2c: {  	_ =	swait.ge [sflag:s12], $0x2800  }
0x2d: {  	s19 =	smov.u32 s21;
	[sflag:s12] =	ssyncset.done $0x0  }
0x2e: {  	s18 =	sshra.s32 s18, $0x2;
	[sflag:s12] =	ssyncadd.s32 $0xFFFFD800  }
0x2f: {  	[tilespmem:s15], [sflag:$0x1] =	stream.indirect.gather [hbm4b:s4+s14], $0x80, s18, s14, $0xb8;
	[tilespmem:$0x1E800] =	vst v63  }
0x30: {  	_ =	swait.ge [sflag:s16], $0x2800  }
0x31: {  	[sflag:s16] =	ssyncset.done $0x0  }
0x32: {  	s18 =	sadd.s32 $0x4000, s18;
	[sflag:s16] =	ssyncadd.s32 $0xFFFFD800  }
0x33: {  	[spmem:s1] =	stream.indirect.scatter.add.f32 [tilespmem:s15], [sflag:$0x2], $0x80, s18, s14, $0xb8;
	[tilespmem:$0x1E800] =	vst v63  }
0x34: {  	_ =	swait.ge [sflag:s12], $0x2800  }
0x35: {  	s17 =	sadd.s32 $0x1, s17;
	[sflag:s12] =	ssyncset.done $0x0  }
0x36: {  	p0 =	sne.s32 s17, s10;
	[sflag:s12] =	ssyncadd.s32 $0xFFFFD800  }
.Ltmp1:
0x37: {  	[bflag:$0x0] =	sbarrier.arrive $0xFFFF;
	(pc) =	sbr.rel @p0 .LBB2_1-.Ltmp1, $4  }
0x38: {  	[hbm:s9], [sflag:s6] =	dma.local [spmem:s11], $0x2800  }
0x39: {  	_ =	swait.ge [sflag:s12], $0x2800  }
0x3a: {  	[sflag:s12] =	ssyncset.done $0x0  }
0x3b: {  	[sflag:s12] =	ssyncadd.s32 $0xFFFFD800  }
0x3c: {  	_ =	sfence.sel $0x180000  }
0x3d: {  	[bflag:$0x0] =	sbarrier.arrive $0xFFFF  }
0x3e: {  	p0 =	sne.s32 s2, $0x0;
	_ =	strace $0x90000047  }
0x3f: {  	s0 =	sadd.s32 @!p0 $0x100000, s0;
	[bflag:$0x2] =	sbarrier.arrive $0xFFFF  }
0x40: {  	[sflag:s0] =	ssyncadd.tile.s32 @!p0 $0x1;
	_ =	shalt  }
.Lfunc_end2:
_tile_overlayer_lowered:
.L_overlay_start_2:
0x41: {  	(tag) =	ssettag $0x2  }
0x42: {  	s0 =	rddreg [dreg:$0x0];
	s2 =	stileid.u32  }
0x43: {  	s1 =	rddreg [dreg:$0x1];
	p0 =	sne.s32 s2, $0x0  }
0x44: {  	s3 =	rddreg [dreg:$0x2];
	[bflag:$0x3] =	sbarrier.arrive $0xFFFF;
	s2 =	simm.s32 @!p0 $0x1C02  }
0x45: {  	[timem:s3], [sflag:s2] =	dma.local @!p0 [hbm:s0], s1  }
0x46: {  	s0 =	simm.s32 @!p0 $0x2  }
0x47: {  	_ =	swait.ge @!p0 [sflag:s0], s1  }
0x48: {  	s1 =	ssub.s32 @!p0 $0x0, s1;
	[sflag:s0] =	ssyncset.done @!p0 $0x0  }
0x49: {  	[sflag:s0] =	ssyncadd.s32 @!p0 s1  }
0x4a: {  	[bflag:$0x3] =	sbarrier.arrive $0xFFFF  }
0x4b: {  	_ =	shalt  }

</sc_bundles>
